<compile_context>
chip_gen: v7x
topology: tpu7x:2x2x1
jax: 0.10.2.dev20260603
libtpu: 0.0.44.dev20260713+nightly
codegen_flags: <defaults>
</compile_context>

<pallas_src>
import functools

import jax
import jax.numpy as jnp
from jax import lax
from jax.experimental import pallas as pl
from jax.experimental.pallas import tpu as pltpu
from jax.experimental.pallas import tpu_sc as plsc

TEMP = 1.0
EPS = 1e-08

_N, _C, _H, _W = 4, 96, 384, 384
_P = _H * _W
_S = 2048
_NTOT = _N * _P
_WORDS = 4
_ROW = 16
_TROWS = _N * _S
_ZROW = _TROWS
_TPAD = _TROWS + 64

_NW = 32
_BPW = _NTOT // _NW
_CH = 2048
_NCH = _BPW // _CH

_HB = 64
_GR = _H // _HB


def _pack_body(t_ref, o_ref):
    t = t_ref[...]
    b = (t != 0.0).astype(jnp.float32)
    ci = lax.broadcasted_iota(jnp.int32, (_C, _ROW), 0)
    ki = lax.broadcasted_iota(jnp.int32, (_C, _ROW), 1)
    expo = lax.shift_left((ci % 24) + 127, 23)
    p2 = lax.bitcast_convert_type(expo, jnp.float32)
    wp = jnp.where((ci // 24) == ki, p2, 0.0)
    o_ref[...] = lax.dot_general(
        b, wp, (((1,), (0,)), ((), ())), preferred_element_type=jnp.float32
    )


def _pack_table(table96):
    rb = 192
    return pl.pallas_call(
        _pack_body,
        grid=(_TPAD // rb,),
        in_specs=[pl.BlockSpec((rb, _C), lambda i: (i, 0))],
        out_specs=pl.BlockSpec((rb, _ROW), lambda i: (i, 0)),
        out_shape=jax.ShapeDtypeStruct((_TPAD, _ROW), jnp.float32),
    )(table96)


def _sc_gather(tflat, sp, smi):
    mesh = plsc.VectorSubcoreMesh(core_axis_name="c", subcore_axis_name="s")

    @functools.partial(
        pl.kernel,
        mesh=mesh,
        out_type=jax.ShapeDtypeStruct((_WORDS, _NTOT), jnp.float32),
        scratch_types=[
            pltpu.VMEM((_TPAD * _WORDS,), jnp.float32),
            pltpu.VMEM((_CH,), jnp.int32),
            pltpu.VMEM((_CH,), jnp.int32),
            pltpu.VMEM((_WORDS, _CH), jnp.float32),
            pltpu.SemaphoreType.DMA,
        ],
        compiler_params=pltpu.CompilerParams(
            use_tc_tiling_on_sc=False, needs_layout_passes=False
        ),
    )
    def k(tab_hbm, sp_hbm, smi_hbm, out_hbm, tab_v, sp_v, sm_v, ow_v, sem):
        wid = lax.axis_index("s") * 2 + lax.axis_index("c")
        base = wid * _BPW
        row_base = (base // _P) * _S
        pltpu.sync_copy(tab_hbm, tab_v)

        def chunk(ci, carry):
            off = base + ci * _CH
            pltpu.sync_copy(sp_hbm.at[pl.ds(off, _CH)], sp_v)
            pltpu.sync_copy(smi_hbm.at[pl.ds(off, _CH)], sm_v)

            def vec(vi, c2):
                s16 = sp_v[pl.ds(vi * 16, 16)]
                m16 = sm_v[pl.ds(vi * 16, 16)]
                ridx = jnp.where(m16 != 0, s16 + row_base, _ZROW)
                b4 = ridx * _WORDS
                for w in range(_WORDS):
                    vals = plsc.load_gather(tab_v, [b4 + w])
                    ow_v[w, pl.ds(vi * 16, 16)] = vals
                return c2

            lax.fori_loop(0, _CH // 16, vec, 0)
            for w in range(_WORDS):
                pltpu.sync_copy(ow_v.at[w], out_hbm.at[w, pl.ds(off, _CH)])
            return carry

        lax.fori_loop(0, _NCH, chunk, 0)

    return k(tflat, sp, smi)


def _main_body(x_ref, g_ref, out_ref, acc_ref):
    ni = pl.program_id(0)
    ti = pl.program_id(1)

    @pl.when(jnp.logical_and(ni == 0, ti == 0))
    def _():
        acc_ref[0] = 0.0
        acc_ref[1] = 0.0

    x = x_ref[0]
    g = g_ref[...]

    e = jnp.exp(x)
    den = jnp.sum(e, axis=0, keepdims=True)

    bit24 = lax.broadcasted_iota(jnp.int32, (24, 1, 1), 0)
    num = jnp.zeros((1, _HB, _W), jnp.float32)
    for k in range(_WORDS):
        wi = g[k:k + 1].astype(jnp.int32)
        wb = jnp.broadcast_to(wi, (24, _HB, _W))
        mk = lax.shift_right_logical(wb, bit24) & 1
        ek = e[24 * k:24 * (k + 1)]
        num = num + jnp.sum(ek * mk.astype(jnp.float32),
                            axis=0, keepdims=True)

    nz = (g[0:1] + g[1:2] + g[2:3] + g[3:4]) > 0.0
    p = num / den
    contrib = jnp.where(nz, -jnp.log(p + EPS), 0.0)
    validf = jnp.where(nz, 1.0, 0.0)

    acc_ref[0] += jnp.sum(contrib)
    acc_ref[1] += jnp.sum(validf)

    @pl.when(jnp.logical_and(ni == _N - 1, ti == _GR - 1))
    def _():
        out_ref[...] = jnp.full((1, 1), acc_ref[0] / (1.0 + acc_ref[1]),
                                jnp.float32)


def _main(x4, gr):
    return pl.pallas_call(
        _main_body,
        grid=(_N, _GR),
        in_specs=[
            pl.BlockSpec((1, _C, _HB, _W), lambda n, t: (n, 0, t, 0)),
            pl.BlockSpec((_WORDS, _HB, _W), lambda n, t: (0, n * _GR + t, 0)),
        ],
        out_specs=pl.BlockSpec((1, 1), lambda n, t: (0, 0)),
        out_shape=jax.ShapeDtypeStruct((1, 1), jnp.float32),
        scratch_shapes=[pltpu.SMEM((2,), jnp.float32)],
        compiler_params=pltpu.CompilerParams(
            dimension_semantics=("arbitrary", "arbitrary")
        ),
    )(x4, gr)


def kernel(inputs, targets, superpixels, spmasks):
    t96 = targets[:, :, :_C].reshape(_TROWS, _C)
    t96 = jnp.concatenate(
        [t96, jnp.zeros((_TPAD - _TROWS, _C), jnp.float32)], axis=0
    )
    sp = superpixels.reshape(_NTOT)
    smi = spmasks.reshape(_NTOT).astype(jnp.int32)

    table = _pack_table(t96)
    tflat = table[:, :_WORDS].reshape(_TPAD * _WORDS)
    g = _sc_gather(tflat, sp, smi)
    gr = g.reshape(_WORDS, _N * _H, _W)
    loss = _main(inputs, gr)
    return loss[0, 0]

# --- scband reference (transcript-rebuilt; emitter-appended) ---
"""Pipeline reference for scband-multi-choice-ce-12128987644159 (READ-ONLY COPY).

The authoritative reference and input builder live on the scoring server;
editing this copy changes nothing except your own understanding.
"""

import jax, jax.numpy as jnp
import numpy as np

TEMP = 1.0
EPS = 1e-08


def setup_inputs(seed: int = 0) -> dict:
    key = jax.random.key(seed)
    k1, k2, k3, k4 = jax.random.split(key, 4)
    N, C, H, W = 4, 96, 384, 384
    S = 2048
    inputs = jax.random.normal(k1, (N, C, H, W), dtype=jnp.float32)
    # binary multi-choice targets over C classes (+1 extra column, dropped in forward)
    targets = jax.random.bernoulli(k2, 0.3, (N, S, C + 1)).astype(jnp.float32)
    superpixels = jax.random.randint(k3, (N, H, W), 0, S, dtype=jnp.int32)
    spmasks = jax.random.bernoulli(k4, 0.5, (N, H, W))
    return {"inputs": inputs, "targets": targets, "superpixels": superpixels, "spmasks": spmasks}


def reference(inputs, targets, superpixels, spmasks):
    N, C, H, W = inputs.shape
    inp = jnp.transpose(inputs, (0, 2, 3, 1)).reshape(N, -1, C)
    outputs = jax.nn.softmax(inp / TEMP, axis=2)
    sp = superpixels.reshape(N, -1)
    sm = spmasks.reshape(N, -1)
    trg_sup = targets[..., :-1]                                   # N x S x C
    trg_pixel = jax.lax.stop_gradient(
        jnp.take_along_axis(trg_sup, sp[:, :, None], axis=1)      # N x P x C gather (detached)
    )
    empty_trg_mask = jnp.any(trg_pixel != 0, axis=2)              # N x P
    mask = sm & empty_trg_mask                                    # N x P
    pos_pred = (outputs * trg_pixel).sum(axis=2)                  # N x P
    per_row = jnp.where(mask, -jnp.log(pos_pred + EPS), jnp.float32(0.0)).sum(axis=1)
    loss = jnp.float32(0.0) + per_row.sum()
    num_valid = 1 + jnp.sum(mask)
    return loss / num_valid

if __name__ == "__main__":
    import jax
    _d = setup_inputs()
    print(jax.jit(kernel)(*tuple(_d.values())))

</pallas_src>

<mosaic_0001>
#map = affine_map<(d0, d1) -> (0)>
#map1 = affine_map<(d0, d1) -> (0, 0)>
module attributes {stable_mosaic.version = 14 : i64} {
  func.func @k(%arg0: i32, %arg1: i32, %arg2: memref<33024xf32, #tpu.memory_space<hbm>>, %arg3: memref<589824xi32, #tpu.memory_space<hbm>>, %arg4: memref<589824xi32, #tpu.memory_space<hbm>>, %arg5: memref<4x589824xf32, #tpu.memory_space<hbm>>, %arg6: memref<33024xf32, #tpu.memory_space<vmem>>, %arg7: memref<2048xi32, #tpu.memory_space<vmem>>, %arg8: memref<2048xi32, #tpu.memory_space<vmem>>, %arg9: memref<4x2048xf32, #tpu.memory_space<vmem>>, %arg10: memref<!tpu.dma_semaphore, #tpu.memory_space<semaphore_mem>>) attributes {dimension_semantics = [#tpu.dimension_semantics<core_parallel>, #tpu.dimension_semantics<subcore_parallel>], iteration_bounds = array<i64: 2, 16>, scalar_prefetch = 0 : i64, scratch_operands = 5 : i64, tpu.core_type = #tpu.core_type<sc_vector_subcore>, window_params = [{transform_indices = #map}, {transform_indices = #map}, {transform_indices = #map}, {transform_indices = #map1}]} {
    %mul3A = arith.constant 2 : i32
    %mul3A_0 = arith.muli %arg1, %mul3A : i32
    %add3A = arith.addi %mul3A_0, %arg0 : i32
    %mul3A_1 = arith.constant 18432 : i32
    %mul3A_2 = arith.muli %add3A, %mul3A_1 : i32
    %jit3A = arith.constant 147456 : i32
    %div3A = arith.divsi %mul3A_2, %jit3A : i32
    %sign3A = arith.constant 0 : i32
    %sign3A_3 = arith.cmpi sgt, %mul3A_2, %sign3A : i32
    %sign3A_4 = arith.extui %sign3A_3 : i1 to i32
    %sign3A_5 = arith.constant 0 : i32
    %sign3A_6 = arith.cmpi slt, %mul3A_2, %sign3A_5 : i32
    %sign3A_7 = arith.extui %sign3A_6 : i1 to i32
    %sign3A_8 = arith.subi %sign3A_4, %sign3A_7 : i32
    %sign3A_9 = arith.constant 0 : i32
    %sign3A_10 = arith.cmpi sgt, %jit3A, %sign3A_9 : i32
    %sign3A_11 = arith.extui %sign3A_10 : i1 to i32
    %sign3A_12 = arith.constant 0 : i32
    %sign3A_13 = arith.cmpi slt, %jit3A, %sign3A_12 : i32
    %sign3A_14 = arith.extui %sign3A_13 : i1 to i32
    %sign3A_15 = arith.subi %sign3A_11, %sign3A_14 : i32
    %ne3A = arith.cmpi ne, %sign3A_8, %sign3A_15 : i32
    %rem3A = arith.remsi %mul3A_2, %jit3A : i32
    %ne3A_16 = arith.constant 0 : i32
    %ne3A_17 = arith.cmpi ne, %rem3A, %ne3A_16 : i32
    %and3A = arith.andi %ne3A, %ne3A_17 : i1
    %sub3A = arith.constant 1 : i32
    %sub3A_18 = arith.subi %div3A, %sub3A : i32
    %select_n3A = arith.select %and3A, %sub3A_18, %div3A : i32
    %mul3A_19 = arith.constant 2048 : i32
    %mul3A_20 = arith.muli %select_n3A, %mul3A_19 : i32
    "tpu.region"() ({
      %run_scoped3A = tpu.sem_alloc : memref<!tpu.dma_semaphore, #tpu.memory_space<semaphore_mem>>
      tpu.enqueue_dma source(%arg2 : memref<33024xf32, #tpu.memory_space<hbm>>) target(%arg6 : memref<33024xf32, #tpu.memory_space<vmem>>) target_semaphore(%run_scoped3A : memref<!tpu.dma_semaphore, #tpu.memory_space<semaphore_mem>>)
      tpu.wait_dma2 semaphore(%run_scoped3A : memref<!tpu.dma_semaphore, #tpu.memory_space<semaphore_mem>>) src(%arg2 : memref<33024xf32, #tpu.memory_space<hbm>>) dst(%arg6 : memref<33024xf32, #tpu.memory_space<vmem>>)
      tpu.yield
    }) : () -> ()
    %scan3A = arith.constant 0 : i32
    %scan3A_21 = arith.constant 0 : i32
    %scan3A_22 = arith.constant 9 : i32
    %scan3A_23 = arith.addi %scan3A_21, %scan3A_22 : i32
    %scan3A_24 = arith.constant 1 : i32
    scf.for %scan3A_26 = %scan3A_21 to %scan3A_23 step %scan3A_24  : i32 {
      %mul3A_27 = arith.constant 2048 : i32
      %mul3A_28 = arith.muli %scan3A_26, %mul3A_27 : i32
      %add3A_29 = arith.addi %mul3A_2, %mul3A_28 : i32
      "tpu.region"() ({
        %run_scoped3A_43 = tpu.sem_alloc : memref<!tpu.dma_semaphore, #tpu.memory_space<semaphore_mem>>
        %dma_start3A = tpu.memref_slice %arg3[%add3A_29] : memref<589824xi32, #tpu.memory_space<hbm>> -> memref<2048xi32, #tpu.memory_space<hbm>>
        %dma_start3A_44 = tpu.memref_slice %arg3[%add3A_29] : memref<589824xi32, #tpu.memory_space<hbm>> -> memref<2048xi32, #tpu.memory_space<hbm>>
        tpu.enqueue_dma source(%dma_start3A_44 : memref<2048xi32, #tpu.memory_space<hbm>>) target(%arg7 : memref<2048xi32, #tpu.memory_space<vmem>>) target_semaphore(%run_scoped3A_43 : memref<!tpu.dma_semaphore, #tpu.memory_space<semaphore_mem>>)
        %dma_wait3A = tpu.memref_slice %arg3[%add3A_29] : memref<589824xi32, #tpu.memory_space<hbm>> -> memref<2048xi32, #tpu.memory_space<hbm>>
        %dma_wait3A_45 = tpu.memref_slice %arg3[%add3A_29] : memref<589824xi32, #tpu.memory_space<hbm>> -> memref<2048xi32, #tpu.memory_space<hbm>>
        tpu.wait_dma2 semaphore(%run_scoped3A_43 : memref<!tpu.dma_semaphore, #tpu.memory_space<semaphore_mem>>) src(%dma_wait3A_45 : memref<2048xi32, #tpu.memory_space<hbm>>) dst(%arg7 : memref<2048xi32, #tpu.memory_space<vmem>>)
        tpu.yield
      }) : () -> ()
      "tpu.region"() ({
        %run_scoped3A_43 = tpu.sem_alloc : memref<!tpu.dma_semaphore, #tpu.memory_space<semaphore_mem>>
        %dma_start3A = tpu.memref_slice %arg4[%add3A_29] : memref<589824xi32, #tpu.memory_space<hbm>> -> memref<2048xi32, #tpu.memory_space<hbm>>
        %dma_start3A_44 = tpu.memref_slice %arg4[%add3A_29] : memref<589824xi32, #tpu.memory_space<hbm>> -> memref<2048xi32, #tpu.memory_space<hbm>>
        tpu.enqueue_dma source(%dma_start3A_44 : memref<2048xi32, #tpu.memory_space<hbm>>) target(%arg8 : memref<2048xi32, #tpu.memory_space<vmem>>) target_semaphore(%run_scoped3A_43 : memref<!tpu.dma_semaphore, #tpu.memory_space<semaphore_mem>>)
        %dma_wait3A = tpu.memref_slice %arg4[%add3A_29] : memref<589824xi32, #tpu.memory_space<hbm>> -> memref<2048xi32, #tpu.memory_space<hbm>>
        %dma_wait3A_45 = tpu.memref_slice %arg4[%add3A_29] : memref<589824xi32, #tpu.memory_space<hbm>> -> memref<2048xi32, #tpu.memory_space<hbm>>
        tpu.wait_dma2 semaphore(%run_scoped3A_43 : memref<!tpu.dma_semaphore, #tpu.memory_space<semaphore_mem>>) src(%dma_wait3A_45 : memref<2048xi32, #tpu.memory_space<hbm>>) dst(%arg8 : memref<2048xi32, #tpu.memory_space<vmem>>)
        tpu.yield
      }) : () -> ()
      %scan3A_30 = arith.constant 0 : i32
      %scan3A_31 = arith.constant 0 : i32
      %scan3A_32 = arith.constant 128 : i32
      %scan3A_33 = arith.addi %scan3A_31, %scan3A_32 : i32
      %scan3A_34 = arith.constant 1 : i32
      scf.for %scan3A_43 = %scan3A_31 to %scan3A_33 step %scan3A_34  : i32 {
        %mul3A_44 = arith.constant 16 : i32
        %mul3A_45 = arith.muli %scan3A_43, %mul3A_44 : i32
        %get3A = arith.index_cast %mul3A_45 : i32 to index
        %get3A_46 = tpu.vector_load %arg7[%get3A] {strides = array<i32>} : memref<2048xi32, #tpu.memory_space<vmem>>, vector<16xi32>,
        %mul3A_47 = arith.constant 16 : i32
        %mul3A_48 = arith.muli %scan3A_43, %mul3A_47 : i32
        %get3A_49 = arith.index_cast %mul3A_48 : i32 to index
        %get3A_50 = tpu.vector_load %arg8[%get3A_49] {strides = array<i32>} : memref<2048xi32, #tpu.memory_space<vmem>>, vector<16xi32>,
        %ne3A_51 = arith.constant 0 : i32
        %ne3A_52 = vector.broadcast %ne3A_51 : i32 to vector<16xi32>
        %ne3A_53 = arith.cmpi ne, %get3A_50, %ne3A_52 : vector<16xi32>
        %add3A_54 = vector.broadcast %mul3A_20 : i32 to vector<16xi32>
        %add3A_55 = arith.addi %get3A_46, %add3A_54 : vector<16xi32>
        %jit3A_56 = arith.constant 8192 : i32
        %broadcast_in_dim3A = vector.broadcast %jit3A_56 : i32 to vector<16xi32>
        %select_n3A_57 = arith.select %ne3A_53, %add3A_55, %broadcast_in_dim3A : vector<16xi1>, vector<16xi32>
        %mul3A_58 = arith.constant 4 : i32
        %mul3A_59 = vector.broadcast %mul3A_58 : i32 to vector<16xi32>
        %mul3A_60 = arith.muli %select_n3A_57, %mul3A_59 : vector<16xi32>
        %add3A_61 = arith.constant 0 : i32
        %add3A_62 = vector.broadcast %add3A_61 : i32 to vector<16xi32>
        %add3A_63 = arith.addi %mul3A_60, %add3A_62 : vector<16xi32>
        %gather3A = tpu.vector_load_idx %arg6[%add3A_63] : memref<33024xf32, #tpu.memory_space<vmem>>[vector<16xi32>], vector<16xf32>,
        %mul3A_64 = arith.constant 16 : i32
        %mul3A_65 = arith.muli %scan3A_43, %mul3A_64 : i32
        %swap3A = arith.constant 0 : i32
        %swap3A_66 = arith.index_cast %swap3A : i32 to index
        %swap3A_67 = arith.index_cast %mul3A_65 : i32 to index
        %swap3A_68 = tpu.vector_load %arg9[%swap3A_66, %swap3A_67] {strides = array<i32>} : memref<4x2048xf32, #tpu.memory_space<vmem>>, vector<16xf32>,
        tpu.vector_store %arg9[%swap3A_66, %swap3A_67], %gather3A {strides = array<i32>} : memref<4x2048xf32, #tpu.memory_space<vmem>>, vector<16xf32>,
        %add3A_69 = arith.constant 1 : i32
        %add3A_70 = vector.broadcast %add3A_69 : i32 to vector<16xi32>
        %add3A_71 = arith.addi %mul3A_60, %add3A_70 : vector<16xi32>
        %gather3A_72 = tpu.vector_load_idx %arg6[%add3A_71] : memref<33024xf32, #tpu.memory_space<vmem>>[vector<16xi32>], vector<16xf32>,
        %mul3A_73 = arith.constant 16 : i32
        %mul3A_74 = arith.muli %scan3A_43, %mul3A_73 : i32
        %swap3A_75 = arith.constant 1 : i32
        %swap3A_76 = arith.index_cast %swap3A_75 : i32 to index
        %swap3A_77 = arith.index_cast %mul3A_74 : i32 to index
        %swap3A_78 = tpu.vector_load %arg9[%swap3A_76, %swap3A_77] {strides = array<i32>} : memref<4x2048xf32, #tpu.memory_space<vmem>>, vector<16xf32>,
        tpu.vector_store %arg9[%swap3A_76, %swap3A_77], %gather3A_72 {strides = array<i32>} : memref<4x2048xf32, #tpu.memory_space<vmem>>, vector<16xf32>,
        %add3A_79 = arith.constant 2 : i32
        %add3A_80 = vector.broadcast %add3A_79 : i32 to vector<16xi32>
        %add3A_81 = arith.addi %mul3A_60, %add3A_80 : vector<16xi32>
        %gather3A_82 = tpu.vector_load_idx %arg6[%add3A_81] : memref<33024xf32, #tpu.memory_space<vmem>>[vector<16xi32>], vector<16xf32>,
        %mul3A_83 = arith.constant 16 : i32
        %mul3A_84 = arith.muli %scan3A_43, %mul3A_83 : i32
        %swap3A_85 = arith.constant 2 : i32
        %swap3A_86 = arith.index_cast %swap3A_85 : i32 to index
        %swap3A_87 = arith.index_cast %mul3A_84 : i32 to index
        %swap3A_88 = tpu.vector_load %arg9[%swap3A_86, %swap3A_87] {strides = array<i32>} : memref<4x2048xf32, #tpu.memory_space<vmem>>, vector<16xf32>,
        tpu.vector_store %arg9[%swap3A_86, %swap3A_87], %gather3A_82 {strides = array<i32>} : memref<4x2048xf32, #tpu.memory_space<vmem>>, vector<16xf32>,
        %add3A_89 = arith.constant 3 : i32
        %add3A_90 = vector.broadcast %add3A_89 : i32 to vector<16xi32>
        %add3A_91 = arith.addi %mul3A_60, %add3A_90 : vector<16xi32>
        %gather3A_92 = tpu.vector_load_idx %arg6[%add3A_91] : memref<33024xf32, #tpu.memory_space<vmem>>[vector<16xi32>], vector<16xf32>,
        %mul3A_93 = arith.constant 16 : i32
        %mul3A_94 = arith.muli %scan3A_43, %mul3A_93 : i32
        %swap3A_95 = arith.constant 3 : i32
        %swap3A_96 = arith.index_cast %swap3A_95 : i32 to index
        %swap3A_97 = arith.index_cast %mul3A_94 : i32 to index
        %swap3A_98 = tpu.vector_load %arg9[%swap3A_96, %swap3A_97] {strides = array<i32>} : memref<4x2048xf32, #tpu.memory_space<vmem>>, vector<16xf32>,
        tpu.vector_store %arg9[%swap3A_96, %swap3A_97], %gather3A_92 {strides = array<i32>} : memref<4x2048xf32, #tpu.memory_space<vmem>>, vector<16xf32>,
      }
      %scan3A_35 = arith.constant 128 : i32
      %run_scoped3A = arith.constant 0 : i32
      %run_scoped3A_36 = arith.constant 0 : i32
      "tpu.region"() ({
        %run_scoped3A_43 = tpu.sem_alloc : memref<!tpu.dma_semaphore, #tpu.memory_space<semaphore_mem>>
        %dma_start3A = arith.constant 0 : i32
        %dma_start3A_44 = tpu.memref_slice %arg9[%run_scoped3A, %dma_start3A] : memref<4x2048xf32, #tpu.memory_space<vmem>> -> memref<1x2048xf32, #tpu.memory_space<vmem>>
        %dma_start3A_45 = tpu.memref_squeeze %dma_start3A_44 : memref<1x2048xf32, #tpu.memory_space<vmem>> -> memref<2048xf32, #tpu.memory_space<vmem>>
        %dma_start3A_46 = tpu.memref_slice %arg5[%run_scoped3A_36, %add3A_29] : memref<4x589824xf32, #tpu.memory_space<hbm>> -> memref<1x2048xf32, #tpu.memory_space<hbm>>
        %dma_start3A_47 = tpu.memref_squeeze %dma_start3A_46 : memref<1x2048xf32, #tpu.memory_space<hbm>> -> memref<2048xf32, #tpu.memory_space<hbm>>
        %dma_start3A_48 = tpu.memref_slice %arg5[%run_scoped3A_36, %add3A_29] : memref<4x589824xf32, #tpu.memory_space<hbm>> -> memref<1x2048xf32, #tpu.memory_space<hbm>>
        %dma_start3A_49 = tpu.memref_squeeze %dma_start3A_48 : memref<1x2048xf32, #tpu.memory_space<hbm>> -> memref<2048xf32, #tpu.memory_space<hbm>>
        %dma_start3A_50 = arith.constant 0 : i32
        %dma_start3A_51 = tpu.memref_slice %arg9[%run_scoped3A, %dma_start3A_50] : memref<4x2048xf32, #tpu.memory_space<vmem>> -> memref<1x2048xf32, #tpu.memory_space<vmem>>
        %dma_start3A_52 = tpu.memref_squeeze %dma_start3A_51 : memref<1x2048xf32, #tpu.memory_space<vmem>> -> memref<2048xf32, #tpu.memory_space<vmem>>
        tpu.enqueue_dma source(%dma_start3A_52 : memref<2048xf32, #tpu.memory_space<vmem>>) target(%dma_start3A_49 : memref<2048xf32, #tpu.memory_space<hbm>>) target_semaphore(%run_scoped3A_43 : memref<!tpu.dma_semaphore, #tpu.memory_space<semaphore_mem>>)
        %dma_wait3A = arith.constant 0 : i32
        %dma_wait3A_53 = tpu.memref_slice %arg9[%run_scoped3A, %dma_wait3A] : memref<4x2048xf32, #tpu.memory_space<vmem>> -> memref<1x2048xf32, #tpu.memory_space<vmem>>
        %dma_wait3A_54 = tpu.memref_squeeze %dma_wait3A_53 : memref<1x2048xf32, #tpu.memory_space<vmem>> -> memref<2048xf32, #tpu.memory_space<vmem>>
        %dma_wait3A_55 = tpu.memref_slice %arg5[%run_scoped3A_36, %add3A_29] : memref<4x589824xf32, #tpu.memory_space<hbm>> -> memref<1x2048xf32, #tpu.memory_space<hbm>>
        %dma_wait3A_56 = tpu.memref_squeeze %dma_wait3A_55 : memref<1x2048xf32, #tpu.memory_space<hbm>> -> memref<2048xf32, #tpu.memory_space<hbm>>
        %dma_wait3A_57 = tpu.memref_slice %arg5[%run_scoped3A_36, %add3A_29] : memref<4x589824xf32, #tpu.memory_space<hbm>> -> memref<1x2048xf32, #tpu.memory_space<hbm>>
        %dma_wait3A_58 = tpu.memref_squeeze %dma_wait3A_57 : memref<1x2048xf32, #tpu.memory_space<hbm>> -> memref<2048xf32, #tpu.memory_space<hbm>>
        %dma_wait3A_59 = arith.constant 0 : i32
        %dma_wait3A_60 = tpu.memref_slice %arg9[%run_scoped3A, %dma_wait3A_59] : memref<4x2048xf32, #tpu.memory_space<vmem>> -> memref<1x2048xf32, #tpu.memory_space<vmem>>
        %dma_wait3A_61 = tpu.memref_squeeze %dma_wait3A_60 : memref<1x2048xf32, #tpu.memory_space<vmem>> -> memref<2048xf32, #tpu.memory_space<vmem>>
        tpu.wait_dma2 semaphore(%run_scoped3A_43 : memref<!tpu.dma_semaphore, #tpu.memory_space<semaphore_mem>>) src(%dma_wait3A_61 : memref<2048xf32, #tpu.memory_space<vmem>>) dst(%dma_wait3A_58 : memref<2048xf32, #tpu.memory_space<hbm>>)
        tpu.yield
      }) : () -> ()
      %run_scoped3A_37 = arith.constant 1 : i32
      %run_scoped3A_38 = arith.constant 1 : i32
      "tpu.region"() ({
        %run_scoped3A_43 = tpu.sem_alloc : memref<!tpu.dma_semaphore, #tpu.memory_space<semaphore_mem>>
        %dma_start3A = arith.constant 0 : i32
        %dma_start3A_44 = tpu.memref_slice %arg9[%run_scoped3A_37, %dma_start3A] : memref<4x2048xf32, #tpu.memory_space<vmem>> -> memref<1x2048xf32, #tpu.memory_space<vmem>>
        %dma_start3A_45 = tpu.memref_squeeze %dma_start3A_44 : memref<1x2048xf32, #tpu.memory_space<vmem>> -> memref<2048xf32, #tpu.memory_space<vmem>>
        %dma_start3A_46 = tpu.memref_slice %arg5[%run_scoped3A_38, %add3A_29] : memref<4x589824xf32, #tpu.memory_space<hbm>> -> memref<1x2048xf32, #tpu.memory_space<hbm>>
        %dma_start3A_47 = tpu.memref_squeeze %dma_start3A_46 : memref<1x2048xf32, #tpu.memory_space<hbm>> -> memref<2048xf32, #tpu.memory_space<hbm>>
        %dma_start3A_48 = tpu.memref_slice %arg5[%run_scoped3A_38, %add3A_29] : memref<4x589824xf32, #tpu.memory_space<hbm>> -> memref<1x2048xf32, #tpu.memory_space<hbm>>
        %dma_start3A_49 = tpu.memref_squeeze %dma_start3A_48 : memref<1x2048xf32, #tpu.memory_space<hbm>> -> memref<2048xf32, #tpu.memory_space<hbm>>
        %dma_start3A_50 = arith.constant 0 : i32
        %dma_start3A_51 = tpu.memref_slice %arg9[%run_scoped3A_37, %dma_start3A_50] : memref<4x2048xf32, #tpu.memory_space<vmem>> -> memref<1x2048xf32, #tpu.memory_space<vmem>>
        %dma_start3A_52 = tpu.memref_squeeze %dma_start3A_51 : memref<1x2048xf32, #tpu.memory_space<vmem>> -> memref<2048xf32, #tpu.memory_space<vmem>>
        tpu.enqueue_dma source(%dma_start3A_52 : memref<2048xf32, #tpu.memory_space<vmem>>) target(%dma_start3A_49 : memref<2048xf32, #tpu.memory_space<hbm>>) target_semaphore(%run_scoped3A_43 : memref<!tpu.dma_semaphore, #tpu.memory_space<semaphore_mem>>)
        %dma_wait3A = arith.constant 0 : i32
        %dma_wait3A_53 = tpu.memref_slice %arg9[%run_scoped3A_37, %dma_wait3A] : memref<4x2048xf32, #tpu.memory_space<vmem>> -> memref<1x2048xf32, #tpu.memory_space<vmem>>
        %dma_wait3A_54 = tpu.memref_squeeze %dma_wait3A_53 : memref<1x2048xf32, #tpu.memory_space<vmem>> -> memref<2048xf32, #tpu.memory_space<vmem>>
        %dma_wait3A_55 = tpu.memref_slice %arg5[%run_scoped3A_38, %add3A_29] : memref<4x589824xf32, #tpu.memory_space<hbm>> -> memref<1x2048xf32, #tpu.memory_space<hbm>>
        %dma_wait3A_56 = tpu.memref_squeeze %dma_wait3A_55 : memref<1x2048xf32, #tpu.memory_space<hbm>> -> memref<2048xf32, #tpu.memory_space<hbm>>
        %dma_wait3A_57 = tpu.memref_slice %arg5[%run_scoped3A_38, %add3A_29] : memref<4x589824xf32, #tpu.memory_space<hbm>> -> memref<1x2048xf32, #tpu.memory_space<hbm>>
        %dma_wait3A_58 = tpu.memref_squeeze %dma_wait3A_57 : memref<1x2048xf32, #tpu.memory_space<hbm>> -> memref<2048xf32, #tpu.memory_space<hbm>>
        %dma_wait3A_59 = arith.constant 0 : i32
        %dma_wait3A_60 = tpu.memref_slice %arg9[%run_scoped3A_37, %dma_wait3A_59] : memref<4x2048xf32, #tpu.memory_space<vmem>> -> memref<1x2048xf32, #tpu.memory_space<vmem>>
        %dma_wait3A_61 = tpu.memref_squeeze %dma_wait3A_60 : memref<1x2048xf32, #tpu.memory_space<vmem>> -> memref<2048xf32, #tpu.memory_space<vmem>>
        tpu.wait_dma2 semaphore(%run_scoped3A_43 : memref<!tpu.dma_semaphore, #tpu.memory_space<semaphore_mem>>) src(%dma_wait3A_61 : memref<2048xf32, #tpu.memory_space<vmem>>) dst(%dma_wait3A_58 : memref<2048xf32, #tpu.memory_space<hbm>>)
        tpu.yield
      }) : () -> ()
      %run_scoped3A_39 = arith.constant 2 : i32
      %run_scoped3A_40 = arith.constant 2 : i32
      "tpu.region"() ({
        %run_scoped3A_43 = tpu.sem_alloc : memref<!tpu.dma_semaphore, #tpu.memory_space<semaphore_mem>>
        %dma_start3A = arith.constant 0 : i32
        %dma_start3A_44 = tpu.memref_slice %arg9[%run_scoped3A_39, %dma_start3A] : memref<4x2048xf32, #tpu.memory_space<vmem>> -> memref<1x2048xf32, #tpu.memory_space<vmem>>
        %dma_start3A_45 = tpu.memref_squeeze %dma_start3A_44 : memref<1x2048xf32, #tpu.memory_space<vmem>> -> memref<2048xf32, #tpu.memory_space<vmem>>
        %dma_start3A_46 = tpu.memref_slice %arg5[%run_scoped3A_40, %add3A_29] : memref<4x589824xf32, #tpu.memory_space<hbm>> -> memref<1x2048xf32, #tpu.memory_space<hbm>>
        %dma_start3A_47 = tpu.memref_squeeze %dma_start3A_46 : memref<1x2048xf32, #tpu.memory_space<hbm>> -> memref<2048xf32, #tpu.memory_space<hbm>>
        %dma_start3A_48 = tpu.memref_slice %arg5[%run_scoped3A_40, %add3A_29] : memref<4x589824xf32, #tpu.memory_space<hbm>> -> memref<1x2048xf32, #tpu.memory_space<hbm>>
        %dma_start3A_49 = tpu.memref_squeeze %dma_start3A_48 : memref<1x2048xf32, #tpu.memory_space<hbm>> -> memref<2048xf32, #tpu.memory_space<hbm>>
        %dma_start3A_50 = arith.constant 0 : i32
        %dma_start3A_51 = tpu.memref_slice %arg9[%run_scoped3A_39, %dma_start3A_50] : memref<4x2048xf32, #tpu.memory_space<vmem>> -> memref<1x2048xf32, #tpu.memory_space<vmem>>
        %dma_start3A_52 = tpu.memref_squeeze %dma_start3A_51 : memref<1x2048xf32, #tpu.memory_space<vmem>> -> memref<2048xf32, #tpu.memory_space<vmem>>
        tpu.enqueue_dma source(%dma_start3A_52 : memref<2048xf32, #tpu.memory_space<vmem>>) target(%dma_start3A_49 : memref<2048xf32, #tpu.memory_space<hbm>>) target_semaphore(%run_scoped3A_43 : memref<!tpu.dma_semaphore, #tpu.memory_space<semaphore_mem>>)
        %dma_wait3A = arith.constant 0 : i32
        %dma_wait3A_53 = tpu.memref_slice %arg9[%run_scoped3A_39, %dma_wait3A] : memref<4x2048xf32, #tpu.memory_space<vmem>> -> memref<1x2048xf32, #tpu.memory_space<vmem>>
        %dma_wait3A_54 = tpu.memref_squeeze %dma_wait3A_53 : memref<1x2048xf32, #tpu.memory_space<vmem>> -> memref<2048xf32, #tpu.memory_space<vmem>>
        %dma_wait3A_55 = tpu.memref_slice %arg5[%run_scoped3A_40, %add3A_29] : memref<4x589824xf32, #tpu.memory_space<hbm>> -> memref<1x2048xf32, #tpu.memory_space<hbm>>
        %dma_wait3A_56 = tpu.memref_squeeze %dma_wait3A_55 : memref<1x2048xf32, #tpu.memory_space<hbm>> -> memref<2048xf32, #tpu.memory_space<hbm>>
        %dma_wait3A_57 = tpu.memref_slice %arg5[%run_scoped3A_40, %add3A_29] : memref<4x589824xf32, #tpu.memory_space<hbm>> -> memref<1x2048xf32, #tpu.memory_space<hbm>>
        %dma_wait3A_58 = tpu.memref_squeeze %dma_wait3A_57 : memref<1x2048xf32, #tpu.memory_space<hbm>> -> memref<2048xf32, #tpu.memory_space<hbm>>
        %dma_wait3A_59 = arith.constant 0 : i32
        %dma_wait3A_60 = tpu.memref_slice %arg9[%run_scoped3A_39, %dma_wait3A_59] : memref<4x2048xf32, #tpu.memory_space<vmem>> -> memref<1x2048xf32, #tpu.memory_space<vmem>>
        %dma_wait3A_61 = tpu.memref_squeeze %dma_wait3A_60 : memref<1x2048xf32, #tpu.memory_space<vmem>> -> memref<2048xf32, #tpu.memory_space<vmem>>
        tpu.wait_dma2 semaphore(%run_scoped3A_43 : memref<!tpu.dma_semaphore, #tpu.memory_space<semaphore_mem>>) src(%dma_wait3A_61 : memref<2048xf32, #tpu.memory_space<vmem>>) dst(%dma_wait3A_58 : memref<2048xf32, #tpu.memory_space<hbm>>)
        tpu.yield
      }) : () -> ()
      %run_scoped3A_41 = arith.constant 3 : i32
      %run_scoped3A_42 = arith.constant 3 : i32
      "tpu.region"() ({
        %run_scoped3A_43 = tpu.sem_alloc : memref<!tpu.dma_semaphore, #tpu.memory_space<semaphore_mem>>
        %dma_start3A = arith.constant 0 : i32
        %dma_start3A_44 = tpu.memref_slice %arg9[%run_scoped3A_41, %dma_start3A] : memref<4x2048xf32, #tpu.memory_space<vmem>> -> memref<1x2048xf32, #tpu.memory_space<vmem>>
        %dma_start3A_45 = tpu.memref_squeeze %dma_start3A_44 : memref<1x2048xf32, #tpu.memory_space<vmem>> -> memref<2048xf32, #tpu.memory_space<vmem>>
        %dma_start3A_46 = tpu.memref_slice %arg5[%run_scoped3A_42, %add3A_29] : memref<4x589824xf32, #tpu.memory_space<hbm>> -> memref<1x2048xf32, #tpu.memory_space<hbm>>
        %dma_start3A_47 = tpu.memref_squeeze %dma_start3A_46 : memref<1x2048xf32, #tpu.memory_space<hbm>> -> memref<2048xf32, #tpu.memory_space<hbm>>
        %dma_start3A_48 = tpu.memref_slice %arg5[%run_scoped3A_42, %add3A_29] : memref<4x589824xf32, #tpu.memory_space<hbm>> -> memref<1x2048xf32, #tpu.memory_space<hbm>>
        %dma_start3A_49 = tpu.memref_squeeze %dma_start3A_48 : memref<1x2048xf32, #tpu.memory_space<hbm>> -> memref<2048xf32, #tpu.memory_space<hbm>>
        %dma_start3A_50 = arith.constant 0 : i32
        %dma_start3A_51 = tpu.memref_slice %arg9[%run_scoped3A_41, %dma_start3A_50] : memref<4x2048xf32, #tpu.memory_space<vmem>> -> memref<1x2048xf32, #tpu.memory_space<vmem>>
        %dma_start3A_52 = tpu.memref_squeeze %dma_start3A_51 : memref<1x2048xf32, #tpu.memory_space<vmem>> -> memref<2048xf32, #tpu.memory_space<vmem>>
        tpu.enqueue_dma source(%dma_start3A_52 : memref<2048xf32, #tpu.memory_space<vmem>>) target(%dma_start3A_49 : memref<2048xf32, #tpu.memory_space<hbm>>) target_semaphore(%run_scoped3A_43 : memref<!tpu.dma_semaphore, #tpu.memory_space<semaphore_mem>>)
        %dma_wait3A = arith.constant 0 : i32
        %dma_wait3A_53 = tpu.memref_slice %arg9[%run_scoped3A_41, %dma_wait3A] : memref<4x2048xf32, #tpu.memory_space<vmem>> -> memref<1x2048xf32, #tpu.memory_space<vmem>>
        %dma_wait3A_54 = tpu.memref_squeeze %dma_wait3A_53 : memref<1x2048xf32, #tpu.memory_space<vmem>> -> memref<2048xf32, #tpu.memory_space<vmem>>
        %dma_wait3A_55 = tpu.memref_slice %arg5[%run_scoped3A_42, %add3A_29] : memref<4x589824xf32, #tpu.memory_space<hbm>> -> memref<1x2048xf32, #tpu.memory_space<hbm>>
        %dma_wait3A_56 = tpu.memref_squeeze %dma_wait3A_55 : memref<1x2048xf32, #tpu.memory_space<hbm>> -> memref<2048xf32, #tpu.memory_space<hbm>>
        %dma_wait3A_57 = tpu.memref_slice %arg5[%run_scoped3A_42, %add3A_29] : memref<4x589824xf32, #tpu.memory_space<hbm>> -> memref<1x2048xf32, #tpu.memory_space<hbm>>
        %dma_wait3A_58 = tpu.memref_squeeze %dma_wait3A_57 : memref<1x2048xf32, #tpu.memory_space<hbm>> -> memref<2048xf32, #tpu.memory_space<hbm>>
        %dma_wait3A_59 = arith.constant 0 : i32
        %dma_wait3A_60 = tpu.memref_slice %arg9[%run_scoped3A_41, %dma_wait3A_59] : memref<4x2048xf32, #tpu.memory_space<vmem>> -> memref<1x2048xf32, #tpu.memory_space<vmem>>
        %dma_wait3A_61 = tpu.memref_squeeze %dma_wait3A_60 : memref<1x2048xf32, #tpu.memory_space<vmem>> -> memref<2048xf32, #tpu.memory_space<vmem>>
        tpu.wait_dma2 semaphore(%run_scoped3A_43 : memref<!tpu.dma_semaphore, #tpu.memory_space<semaphore_mem>>) src(%dma_wait3A_61 : memref<2048xf32, #tpu.memory_space<vmem>>) dst(%dma_wait3A_58 : memref<2048xf32, #tpu.memory_space<hbm>>)
        tpu.yield
      }) : () -> ()
    }
    %scan3A_25 = arith.constant 9 : i32
    return
  }
}

module attributes {stable_mosaic.version = 14 : i64} {
  func.func @_pack_body(%arg0: i32, %arg1: memref<192x96xf32, #tpu.memory_space<vmem>>, %arg2: memref<192x16xf32, #tpu.memory_space<vmem>>) attributes {dimension_semantics = [#tpu.dimension_semantics<arbitrary>], iteration_bounds = array<i64: 43>, scalar_prefetch = 0 : i64, scratch_operands = 0 : i64, tpu.core_type = #tpu.core_type<tc>, window_params = [{transform_indices = @transform_0, window_bounds = array<i64: 192, 96>}, {transform_indices = @transform_1, window_bounds = array<i64: 192, 16>}]} {
    %get3A = arith.constant 0 : index
    %get3A_0 = arith.constant 0 : index
    %get3A_1 = vector.load %arg1[%get3A, %get3A_0] : memref<192x96xf32, #tpu.memory_space<vmem>>, vector<192x96xf32>
    %ne3A = arith.constant 0.000000e+00 : f32
    %ne3A_2 = vector.broadcast %ne3A : f32 to vector<192x96xf32>
    %ne3A_3 = arith.cmpf one, %get3A_1, %ne3A_2 : vector<192x96xf32>
    %convert_element_type3A = arith.extui %ne3A_3 : vector<192x96xi1> to vector<192x96xi32>
    %convert_element_type3A_4 = arith.sitofp %convert_element_type3A : vector<192x96xi32> to vector<192x96xf32>
    %iota3A = tpu.iota {dimensions = array<i32: 0>} : vector<96x16xi32>
    %iota3A_5 = tpu.iota {dimensions = array<i32: 1>} : vector<96x16xi32>
    %jit3A = arith.constant 24 : i32
    %eq3A = arith.constant 0 : i32
    %eq3A_6 = arith.cmpi eq, %jit3A, %eq3A : i32
    %jit3A_7 = arith.constant 1 : i32
    %select_n3A = arith.select %eq3A_6, %jit3A_7, %jit3A : i32
    %rem3A = vector.broadcast %select_n3A : i32 to vector<96x16xi32>
    %rem3A_8 = arith.remsi %iota3A, %rem3A : vector<96x16xi32>
    %ne3A_9 = arith.constant 0 : i32
    %ne3A_10 = vector.broadcast %ne3A_9 : i32 to vector<96x16xi32>
    %ne3A_11 = arith.cmpi ne, %rem3A_8, %ne3A_10 : vector<96x16xi32>
    %lt3A = arith.constant 0 : i32
    %lt3A_12 = vector.broadcast %lt3A : i32 to vector<96x16xi32>
    %lt3A_13 = arith.cmpi slt, %rem3A_8, %lt3A_12 : vector<96x16xi32>
    %lt3A_14 = arith.constant 0 : i32
    %lt3A_15 = arith.cmpi slt, %select_n3A, %lt3A_14 : i32
    %ne3A_16 = vector.broadcast %lt3A_15 : i1 to vector<96x16xi1>
    %ne3A_17 = vector.broadcast %ne3A_16 : vector<96x16xi1> to vector<96x16xi1>
    %ne3A_18 = arith.xori %lt3A_13, %ne3A_17 : vector<96x16xi1>
    %and3A = arith.andi %ne3A_18, %ne3A_11 : vector<96x16xi1>
    %add3A = vector.broadcast %select_n3A : i32 to vector<96x16xi32>
    %add3A_19 = arith.addi %rem3A_8, %add3A : vector<96x16xi32>
    %select_n3A_20 = arith.select %and3A, %add3A_19, %rem3A_8 : vector<96x16xi1>, vector<96x16xi32>
    %add3A_21 = arith.constant 127 : i32
    %add3A_22 = vector.broadcast %add3A_21 : i32 to vector<96x16xi32>
    %add3A_23 = arith.addi %select_n3A_20, %add3A_22 : vector<96x16xi32>
    %shift_left3A = arith.constant 23 : i32
    %shift_left3A_24 = vector.broadcast %shift_left3A : i32 to vector<96x16xi32>
    %shift_left3A_25 = arith.shli %add3A_23, %shift_left3A_24 : vector<96x16xi32>
    %bitcast_convert_type3A = tpu.bitcast %shift_left3A_25 : vector<96x16xi32> -> vector<96x16xf32>
    %jit3A_26 = arith.constant 24 : i32
    %div3A = vector.broadcast %jit3A_26 : i32 to vector<96x16xi32>
    %div3A_27 = arith.divsi %iota3A, %div3A : vector<96x16xi32>
    %sign3A = arith.constant 0 : i32
    %sign3A_28 = vector.broadcast %sign3A : i32 to vector<96x16xi32>
    %sign3A_29 = arith.cmpi sgt, %iota3A, %sign3A_28 : vector<96x16xi32>
    %sign3A_30 = arith.extui %sign3A_29 : vector<96x16xi1> to vector<96x16xi32>
    %sign3A_31 = arith.constant 0 : i32
    %sign3A_32 = vector.broadcast %sign3A_31 : i32 to vector<96x16xi32>
    %sign3A_33 = arith.cmpi slt, %iota3A, %sign3A_32 : vector<96x16xi32>
    %sign3A_34 = arith.extui %sign3A_33 : vector<96x16xi1> to vector<96x16xi32>
    %sign3A_35 = arith.subi %sign3A_30, %sign3A_34 : vector<96x16xi32>
    %sign3A_36 = arith.constant 0 : i32
    %sign3A_37 = arith.cmpi sgt, %jit3A_26, %sign3A_36 : i32
    %sign3A_38 = arith.extui %sign3A_37 : i1 to i32
    %sign3A_39 = arith.constant 0 : i32
    %sign3A_40 = arith.cmpi slt, %jit3A_26, %sign3A_39 : i32
    %sign3A_41 = arith.extui %sign3A_40 : i1 to i32
    %sign3A_42 = arith.subi %sign3A_38, %sign3A_41 : i32
    %ne3A_43 = vector.broadcast %sign3A_42 : i32 to vector<96x16xi32>
    %ne3A_44 = arith.cmpi ne, %sign3A_35, %ne3A_43 : vector<96x16xi32>
    %rem3A_45 = vector.broadcast %jit3A_26 : i32 to vector<96x16xi32>
    %rem3A_46 = arith.remsi %iota3A, %rem3A_45 : vector<96x16xi32>
    %ne3A_47 = arith.constant 0 : i32
    %ne3A_48 = vector.broadcast %ne3A_47 : i32 to vector<96x16xi32>
    %ne3A_49 = arith.cmpi ne, %rem3A_46, %ne3A_48 : vector<96x16xi32>
    %and3A_50 = arith.andi %ne3A_44, %ne3A_49 : vector<96x16xi1>
    %sub3A = arith.constant 1 : i32
    %sub3A_51 = vector.broadcast %sub3A : i32 to vector<96x16xi32>
    %sub3A_52 = arith.subi %div3A_27, %sub3A_51 : vector<96x16xi32>
    %select_n3A_53 = arith.select %and3A_50, %sub3A_52, %div3A_27 : vector<96x16xi1>, vector<96x16xi32>
    %eq3A_54 = arith.cmpi eq, %select_n3A_53, %iota3A_5 : vector<96x16xi32>
    %jit3A_55 = arith.constant 0.000000e+00 : f32
    %broadcast_in_dim3A = vector.broadcast %jit3A_55 : f32 to vector<96x16xf32>
    %select_n3A_56 = arith.select %eq3A_54, %bitcast_convert_type3A, %broadcast_in_dim3A : vector<96x16xi1>, vector<96x16xf32>
    %dot_general3A = arith.constant dense<0.000000e+00> : vector<192x16xf32>
    %dot_general3A_57 = tpu.matmul %convert_element_type3A_4, %select_n3A_56, %dot_general3A {dimension_numbers = #tpu.dot_dimension_numbers<[1], [0], [0], [1], [0, 0, 1, 1], [], []>, transpose_lhs_hint = false} : vector<192x96xf32>, vector<96x16xf32>, vector<192x16xf32> -> vector<192x16xf32>
    %swap3A = arith.constant 0 : index
    %swap3A_58 = arith.constant 0 : index
    %swap3A_59 = vector.load %arg2[%swap3A, %swap3A_58] : memref<192x16xf32, #tpu.memory_space<vmem>>, vector<192x16xf32>
    tpu.vector_store %arg2[%swap3A, %swap3A_58], %dot_general3A_57 {strides = array<i32>} : memref<192x16xf32, #tpu.memory_space<vmem>>, vector<192x16xf32>,
    return
  }
  func.func @transform_0(%arg0: i32) -> (i32, i32) {
    %c0_i32 = arith.constant 0 : i32
    %c0_i32_0 = arith.constant 0 : i32
    return %arg0, %c0_i32 : i32, i32
  }
  func.func @transform_1(%arg0: i32) -> (i32, i32) {
    %c0_i32 = arith.constant 0 : i32
    %c0_i32_0 = arith.constant 0 : i32
    return %arg0, %c0_i32 : i32, i32
  }
}

module attributes {stable_mosaic.version = 14 : i64} {
  func.func @_main_body(%arg0: i32, %arg1: i32, %arg2: memref<1x96x64x384xf32, #tpu.memory_space<vmem>>, %arg3: memref<4x64x384xf32, #tpu.memory_space<vmem>>, %arg4: memref<1x1xf32, #tpu.memory_space<vmem>>, %arg5: memref<2xf32, #tpu.memory_space<smem>>) attributes {dimension_semantics = [#tpu.dimension_semantics<arbitrary>, #tpu.dimension_semantics<arbitrary>], iteration_bounds = array<i64: 4, 6>, scalar_prefetch = 0 : i64, scratch_operands = 1 : i64, tpu.core_type = #tpu.core_type<tc>, window_params = [{transform_indices = @transform_0, window_bounds = array<i64: 1, 96, 64, 384>}, {transform_indices = @transform_1, window_bounds = array<i64: 4, 64, 384>}, {pipeline_mode = #tpu.pipeline_mode<synchronous>, transform_indices = @transform_2, window_bounds = array<i64: 1, 1>}]} {
    %eq3A = arith.constant 0 : i32
    %eq3A_0 = arith.cmpi eq, %arg0, %eq3A : i32
    %eq3A_1 = arith.constant 0 : i32
    %eq3A_2 = arith.cmpi eq, %arg1, %eq3A_1 : i32
    %and3A = arith.andi %eq3A_0, %eq3A_2 : i1
    %convert_element_type3A = arith.extui %and3A : i1 to i32
    %cond3A = arith.constant 0 : i32
    %cond3A_3 = arith.cmpi ne, %convert_element_type3A, %cond3A : i32
    scf.if %cond3A_3 {
      %swap3A_123 = arith.constant 0.000000e+00 : f32
      %swap3A_124 = arith.constant 0 : index
      %swap3A_125 = memref.load %arg5[%swap3A_124] : memref<2xf32, #tpu.memory_space<smem>>
      memref.store %swap3A_123, %arg5[%swap3A_124] : memref<2xf32, #tpu.memory_space<smem>>
      %swap3A_126 = arith.constant 0.000000e+00 : f32
      %swap3A_127 = arith.constant 1 : index
      %swap3A_128 = memref.load %arg5[%swap3A_127] : memref<2xf32, #tpu.memory_space<smem>>
      memref.store %swap3A_126, %arg5[%swap3A_127] : memref<2xf32, #tpu.memory_space<smem>>
    } else {
    }
    %get3A = arith.constant 0 : index
    %get3A_4 = arith.constant 0 : index
    %get3A_5 = arith.constant 0 : index
    %get3A_6 = arith.constant 0 : index
    %get3A_7 = vector.load %arg2[%get3A, %get3A_4, %get3A_5, %get3A_6] : memref<1x96x64x384xf32, #tpu.memory_space<vmem>>, vector<1x96x64x384xf32>
    %get3A_8 = vector.shape_cast %get3A_7 : vector<1x96x64x384xf32> to vector<96x64x384xf32>
    %get3A_9 = arith.constant 0 : index
    %get3A_10 = arith.constant 0 : index
    %get3A_11 = arith.constant 0 : index
    %get3A_12 = vector.load %arg3[%get3A_9, %get3A_10, %get3A_11] : memref<4x64x384xf32, #tpu.memory_space<vmem>>, vector<4x64x384xf32>
    %exp3A = math.exp %get3A_8 : vector<96x64x384xf32>
    %reduce_sum3A = arith.constant dense<0.000000e+00> : vector<64x384xf32>
    %reduce_sum3A_13 = vector.multi_reduction <add>, %exp3A, %reduce_sum3A [0] : vector<96x64x384xf32> to vector<64x384xf32>
    %broadcast_in_dim3A = vector.shape_cast %reduce_sum3A_13 : vector<64x384xf32> to vector<1x64x384xf32>
    %iota3A = tpu.iota {dimensions = array<i32: 0>} : vector<24x1x1xi32>
    %broadcast_in_dim3A_14 = arith.constant 0.000000e+00 : f32
    %broadcast_in_dim3A_15 = vector.broadcast %broadcast_in_dim3A_14 : f32 to vector<1x64x384xf32>
    %slice3A = vector.extract_strided_slice %get3A_12 {offsets = [0, 0, 0], sizes = [1, 64, 384], strides = [1, 1, 1]} : vector<4x64x384xf32> to vector<1x64x384xf32>
    %convert_element_type3A_16 = arith.fptosi %slice3A : vector<1x64x384xf32> to vector<1x64x384xi32>
    %broadcast_in_dim3A_17 = vector.shape_cast %convert_element_type3A_16 : vector<1x64x384xi32> to vector<1x64x384xi32>
    %broadcast_in_dim3A_18 = vector.broadcast %broadcast_in_dim3A_17 : vector<1x64x384xi32> to vector<24x64x384xi32>
    %shift_right_logical3A = vector.broadcast %iota3A : vector<24x1x1xi32> to vector<24x64x384xi32>
    %shift_right_logical3A_19 = arith.shrui %broadcast_in_dim3A_18, %shift_right_logical3A : vector<24x64x384xi32>
    %and3A_20 = arith.constant 1 : i32
    %and3A_21 = vector.broadcast %and3A_20 : i32 to vector<24x64x384xi32>
    %and3A_22 = arith.andi %shift_right_logical3A_19, %and3A_21 : vector<24x64x384xi32>
    %slice3A_23 = vector.extract_strided_slice %exp3A {offsets = [0, 0, 0], sizes = [24, 64, 384], strides = [1, 1, 1]} : vector<96x64x384xf32> to vector<24x64x384xf32>
    %convert_element_type3A_24 = arith.sitofp %and3A_22 : vector<24x64x384xi32> to vector<24x64x384xf32>
    %mul3A = arith.mulf %slice3A_23, %convert_element_type3A_24 : vector<24x64x384xf32>
    %reduce_sum3A_25 = arith.constant dense<0.000000e+00> : vector<64x384xf32>
    %reduce_sum3A_26 = vector.multi_reduction <add>, %mul3A, %reduce_sum3A_25 [0] : vector<24x64x384xf32> to vector<64x384xf32>
    %broadcast_in_dim3A_27 = vector.shape_cast %reduce_sum3A_26 : vector<64x384xf32> to vector<1x64x384xf32>
    %add3A = arith.addf %broadcast_in_dim3A_15, %broadcast_in_dim3A_27 : vector<1x64x384xf32>
    %slice3A_28 = vector.extract_strided_slice %get3A_12 {offsets = [1, 0, 0], sizes = [1, 64, 384], strides = [1, 1, 1]} : vector<4x64x384xf32> to vector<1x64x384xf32>
    %convert_element_type3A_29 = arith.fptosi %slice3A_28 : vector<1x64x384xf32> to vector<1x64x384xi32>
    %broadcast_in_dim3A_30 = vector.shape_cast %convert_element_type3A_29 : vector<1x64x384xi32> to vector<1x64x384xi32>
    %broadcast_in_dim3A_31 = vector.broadcast %broadcast_in_dim3A_30 : vector<1x64x384xi32> to vector<24x64x384xi32>
    %shift_right_logical3A_32 = vector.broadcast %iota3A : vector<24x1x1xi32> to vector<24x64x384xi32>
    %shift_right_logical3A_33 = arith.shrui %broadcast_in_dim3A_31, %shift_right_logical3A_32 : vector<24x64x384xi32>
    %and3A_34 = arith.constant 1 : i32
    %and3A_35 = vector.broadcast %and3A_34 : i32 to vector<24x64x384xi32>
    %and3A_36 = arith.andi %shift_right_logical3A_33, %and3A_35 : vector<24x64x384xi32>
    %slice3A_37 = vector.extract_strided_slice %exp3A {offsets = [24, 0, 0], sizes = [24, 64, 384], strides = [1, 1, 1]} : vector<96x64x384xf32> to vector<24x64x384xf32>
    %convert_element_type3A_38 = arith.sitofp %and3A_36 : vector<24x64x384xi32> to vector<24x64x384xf32>
    %mul3A_39 = arith.mulf %slice3A_37, %convert_element_type3A_38 : vector<24x64x384xf32>
    %reduce_sum3A_40 = arith.constant dense<0.000000e+00> : vector<64x384xf32>
    %reduce_sum3A_41 = vector.multi_reduction <add>, %mul3A_39, %reduce_sum3A_40 [0] : vector<24x64x384xf32> to vector<64x384xf32>
    %broadcast_in_dim3A_42 = vector.shape_cast %reduce_sum3A_41 : vector<64x384xf32> to vector<1x64x384xf32>
    %add3A_43 = arith.addf %add3A, %broadcast_in_dim3A_42 : vector<1x64x384xf32>
    %slice3A_44 = vector.extract_strided_slice %get3A_12 {offsets = [2, 0, 0], sizes = [1, 64, 384], strides = [1, 1, 1]} : vector<4x64x384xf32> to vector<1x64x384xf32>
    %convert_element_type3A_45 = arith.fptosi %slice3A_44 : vector<1x64x384xf32> to vector<1x64x384xi32>
    %broadcast_in_dim3A_46 = vector.shape_cast %convert_element_type3A_45 : vector<1x64x384xi32> to vector<1x64x384xi32>
    %broadcast_in_dim3A_47 = vector.broadcast %broadcast_in_dim3A_46 : vector<1x64x384xi32> to vector<24x64x384xi32>
    %shift_right_logical3A_48 = vector.broadcast %iota3A : vector<24x1x1xi32> to vector<24x64x384xi32>
    %shift_right_logical3A_49 = arith.shrui %broadcast_in_dim3A_47, %shift_right_logical3A_48 : vector<24x64x384xi32>
    %and3A_50 = arith.constant 1 : i32
    %and3A_51 = vector.broadcast %and3A_50 : i32 to vector<24x64x384xi32>
    %and3A_52 = arith.andi %shift_right_logical3A_49, %and3A_51 : vector<24x64x384xi32>
    %slice3A_53 = vector.extract_strided_slice %exp3A {offsets = [48, 0, 0], sizes = [24, 64, 384], strides = [1, 1, 1]} : vector<96x64x384xf32> to vector<24x64x384xf32>
    %convert_element_type3A_54 = arith.sitofp %and3A_52 : vector<24x64x384xi32> to vector<24x64x384xf32>
    %mul3A_55 = arith.mulf %slice3A_53, %convert_element_type3A_54 : vector<24x64x384xf32>
    %reduce_sum3A_56 = arith.constant dense<0.000000e+00> : vector<64x384xf32>
    %reduce_sum3A_57 = vector.multi_reduction <add>, %mul3A_55, %reduce_sum3A_56 [0] : vector<24x64x384xf32> to vector<64x384xf32>
    %broadcast_in_dim3A_58 = vector.shape_cast %reduce_sum3A_57 : vector<64x384xf32> to vector<1x64x384xf32>
    %add3A_59 = arith.addf %add3A_43, %broadcast_in_dim3A_58 : vector<1x64x384xf32>
    %slice3A_60 = vector.extract_strided_slice %get3A_12 {offsets = [3, 0, 0], sizes = [1, 64, 384], strides = [1, 1, 1]} : vector<4x64x384xf32> to vector<1x64x384xf32>
    %convert_element_type3A_61 = arith.fptosi %slice3A_60 : vector<1x64x384xf32> to vector<1x64x384xi32>
    %broadcast_in_dim3A_62 = vector.shape_cast %convert_element_type3A_61 : vector<1x64x384xi32> to vector<1x64x384xi32>
    %broadcast_in_dim3A_63 = vector.broadcast %broadcast_in_dim3A_62 : vector<1x64x384xi32> to vector<24x64x384xi32>
    %shift_right_logical3A_64 = vector.broadcast %iota3A : vector<24x1x1xi32> to vector<24x64x384xi32>
    %shift_right_logical3A_65 = arith.shrui %broadcast_in_dim3A_63, %shift_right_logical3A_64 : vector<24x64x384xi32>
    %and3A_66 = arith.constant 1 : i32
    %and3A_67 = vector.broadcast %and3A_66 : i32 to vector<24x64x384xi32>
    %and3A_68 = arith.andi %shift_right_logical3A_65, %and3A_67 : vector<24x64x384xi32>
    %slice3A_69 = vector.extract_strided_slice %exp3A {offsets = [72, 0, 0], sizes = [24, 64, 384], strides = [1, 1, 1]} : vector<96x64x384xf32> to vector<24x64x384xf32>
    %convert_element_type3A_70 = arith.sitofp %and3A_68 : vector<24x64x384xi32> to vector<24x64x384xf32>
    %mul3A_71 = arith.mulf %slice3A_69, %convert_element_type3A_70 : vector<24x64x384xf32>
    %reduce_sum3A_72 = arith.constant dense<0.000000e+00> : vector<64x384xf32>
    %reduce_sum3A_73 = vector.multi_reduction <add>, %mul3A_71, %reduce_sum3A_72 [0] : vector<24x64x384xf32> to vector<64x384xf32>
    %broadcast_in_dim3A_74 = vector.shape_cast %reduce_sum3A_73 : vector<64x384xf32> to vector<1x64x384xf32>
    %add3A_75 = arith.addf %add3A_59, %broadcast_in_dim3A_74 : vector<1x64x384xf32>
    %slice3A_76 = vector.extract_strided_slice %get3A_12 {offsets = [0, 0, 0], sizes = [1, 64, 384], strides = [1, 1, 1]} : vector<4x64x384xf32> to vector<1x64x384xf32>
    %slice3A_77 = vector.extract_strided_slice %get3A_12 {offsets = [1, 0, 0], sizes = [1, 64, 384], strides = [1, 1, 1]} : vector<4x64x384xf32> to vector<1x64x384xf32>
    %add3A_78 = arith.addf %slice3A_76, %slice3A_77 : vector<1x64x384xf32>
    %slice3A_79 = vector.extract_strided_slice %get3A_12 {offsets = [2, 0, 0], sizes = [1, 64, 384], strides = [1, 1, 1]} : vector<4x64x384xf32> to vector<1x64x384xf32>
    %add3A_80 = arith.addf %add3A_78, %slice3A_79 : vector<1x64x384xf32>
    %slice3A_81 = vector.extract_strided_slice %get3A_12 {offsets = [3, 0, 0], sizes = [1, 64, 384], strides = [1, 1, 1]} : vector<4x64x384xf32> to vector<1x64x384xf32>
    %add3A_82 = arith.addf %add3A_80, %slice3A_81 : vector<1x64x384xf32>
    %gt3A = arith.constant 0.000000e+00 : f32
    %gt3A_83 = vector.broadcast %gt3A : f32 to vector<1x64x384xf32>
    %gt3A_84 = arith.cmpf ogt, %add3A_82, %gt3A_83 : vector<1x64x384xf32>
    %div3A = arith.divf %add3A_75, %broadcast_in_dim3A : vector<1x64x384xf32>
    %add3A_85 = arith.constant 9.99999993E-9 : f32
    %add3A_86 = vector.broadcast %add3A_85 : f32 to vector<1x64x384xf32>
    %add3A_87 = arith.addf %div3A, %add3A_86 : vector<1x64x384xf32>
    %log3A = math.log %add3A_87 : vector<1x64x384xf32>
    %neg3A = arith.constant 0.000000e+00 : f32
    %neg3A_88 = vector.broadcast %neg3A : f32 to vector<1x64x384xf32>
    %neg3A_89 = arith.subf %neg3A_88, %log3A : vector<1x64x384xf32>
    %jit3A = arith.constant 0.000000e+00 : f32
    %broadcast_in_dim3A_90 = vector.broadcast %jit3A : f32 to vector<1x64x384xf32>
    %select_n3A = arith.select %gt3A_84, %neg3A_89, %broadcast_in_dim3A_90 : vector<1x64x384xi1>, vector<1x64x384xf32>
    %jit3A_91 = arith.constant 1.000000e+00 : f32
    %jit3A_92 = arith.constant 0.000000e+00 : f32
    %broadcast_in_dim3A_93 = vector.broadcast %jit3A_91 : f32 to vector<1x64x384xf32>
    %broadcast_in_dim3A_94 = vector.broadcast %jit3A_92 : f32 to vector<1x64x384xf32>
    %select_n3A_95 = arith.select %gt3A_84, %broadcast_in_dim3A_93, %broadcast_in_dim3A_94 : vector<1x64x384xi1>, vector<1x64x384xf32>
    %get3A_96 = arith.constant 0 : index
    %get3A_97 = memref.load %arg5[%get3A_96] : memref<2xf32, #tpu.memory_space<smem>>
    %reduce_sum3A_98 = vector.shape_cast %select_n3A : vector<1x64x384xf32> to vector<1x1x64x384xf32>
    %reduce_sum3A_99 = arith.constant dense<0.000000e+00> : vector<1xf32>
    %reduce_sum3A_100 = vector.multi_reduction <add>, %reduce_sum3A_98, %reduce_sum3A_99 [1, 2, 3] : vector<1x1x64x384xf32> to vector<1xf32>
    %reduce_sum3A_101 = vector.shape_cast %reduce_sum3A_100 : vector<1xf32> to vector<1x1x1x1xf32>
    %reduce_sum3A_102 = vector.extract %reduce_sum3A_101[0, 0, 0, 0] : f32 from vector<1x1x1x1xf32>
    %add3A_103 = arith.addf %get3A_97, %reduce_sum3A_102 : f32
    %swap3A = arith.constant 0 : index
    %swap3A_104 = memref.load %arg5[%swap3A] : memref<2xf32, #tpu.memory_space<smem>>
    memref.store %add3A_103, %arg5[%swap3A] : memref<2xf32, #tpu.memory_space<smem>>
    %get3A_105 = arith.constant 1 : index
    %get3A_106 = memref.load %arg5[%get3A_105] : memref<2xf32, #tpu.memory_space<smem>>
    %reduce_sum3A_107 = vector.shape_cast %select_n3A_95 : vector<1x64x384xf32> to vector<1x1x64x384xf32>
    %reduce_sum3A_108 = arith.constant dense<0.000000e+00> : vector<1xf32>
    %reduce_sum3A_109 = vector.multi_reduction <add>, %reduce_sum3A_107, %reduce_sum3A_108 [1, 2, 3] : vector<1x1x64x384xf32> to vector<1xf32>
    %reduce_sum3A_110 = vector.shape_cast %reduce_sum3A_109 : vector<1xf32> to vector<1x1x1x1xf32>
    %reduce_sum3A_111 = vector.extract %reduce_sum3A_110[0, 0, 0, 0] : f32 from vector<1x1x1x1xf32>
    %add3A_112 = arith.addf %get3A_106, %reduce_sum3A_111 : f32
    %swap3A_113 = arith.constant 1 : index
    %swap3A_114 = memref.load %arg5[%swap3A_113] : memref<2xf32, #tpu.memory_space<smem>>
    memref.store %add3A_112, %arg5[%swap3A_113] : memref<2xf32, #tpu.memory_space<smem>>
    %eq3A_115 = arith.constant 3 : i32
    %eq3A_116 = arith.cmpi eq, %arg0, %eq3A_115 : i32
    %eq3A_117 = arith.constant 5 : i32
    %eq3A_118 = arith.cmpi eq, %arg1, %eq3A_117 : i32
    %and3A_119 = arith.andi %eq3A_116, %eq3A_118 : i1
    %convert_element_type3A_120 = arith.extui %and3A_119 : i1 to i32
    %cond3A_121 = arith.constant 0 : i32
    %cond3A_122 = arith.cmpi ne, %convert_element_type3A_120, %cond3A_121 : i32
    scf.if %cond3A_122 {
      %get3A_123 = arith.constant 0 : index
      %get3A_124 = memref.load %arg5[%get3A_123] : memref<2xf32, #tpu.memory_space<smem>>
      %get3A_125 = arith.constant 1 : index
      %get3A_126 = memref.load %arg5[%get3A_125] : memref<2xf32, #tpu.memory_space<smem>>
      %add3A_127 = arith.constant 1.000000e+00 : f32
      %add3A_128 = arith.addf %add3A_127, %get3A_126 : f32
      %div3A_129 = arith.divf %get3A_124, %add3A_128 : f32
      %broadcast_in_dim3A_130 = vector.broadcast %div3A_129 : f32 to vector<1x1xf32>
      %swap3A_131 = arith.constant 0 : index
      %swap3A_132 = arith.constant 0 : index
      %swap3A_133 = vector.load %arg4[%swap3A_131, %swap3A_132] : memref<1x1xf32, #tpu.memory_space<vmem>>, vector<1x1xf32>
      tpu.vector_store %arg4[%swap3A_131, %swap3A_132], %broadcast_in_dim3A_130 {strides = array<i32>} : memref<1x1xf32, #tpu.memory_space<vmem>>, vector<1x1xf32>,
    } else {
    }
    return
  }
  func.func @transform_0(%arg0: i32, %arg1: i32) -> (i32, i32, i32, i32) {
    %c0_i32 = arith.constant 0 : i32
    %c0_i32_0 = arith.constant 0 : i32
    %c0_i32_1 = arith.constant 0 : i32
    return %arg0, %c0_i32, %arg1, %c0_i32_0 : i32, i32, i32, i32
  }
  func.func @transform_1(%arg0: i32, %arg1: i32) -> (i32, i32, i32) {
    %mul3A = arith.constant 6 : i32
    %mul3A_0 = arith.muli %arg0, %mul3A : i32
    %add3A = arith.addi %mul3A_0, %arg1 : i32
    %c0_i32 = arith.constant 0 : i32
    %c0_i32_1 = arith.constant 0 : i32
    %c0_i32_2 = arith.constant 0 : i32
    return %c0_i32, %add3A, %c0_i32_1 : i32, i32, i32
  }
  func.func @transform_2(%arg0: i32, %arg1: i32) -> (i32, i32) {
    %c0_i32 = arith.constant 0 : i32
    %c0_i32_0 = arith.constant 0 : i32
    %c0_i32_1 = arith.constant 0 : i32
    return %c0_i32, %c0_i32_0 : i32, i32
  }
}

</mosaic_0001>

<sc_bundles>
// kernel: kernel.5.cloned.1.call-start
scs
__scs_entry_jumppad:
0x0: {  	(pc) =	sbr.rel $0x88, $3  }
0x1: {  	(tag) =	ssettag $0x0;
	lr =	simm.s32 $0x1  }
0x2: {  	[smem:$0x3F9D] =	sst lr;
	_ =	strace $0xD0000000  }
0x3: {  	_ = 	snop  }
0x4: {  	_ = 	snop  }
0x5: {  	_ = 	snop  }
0x6: {  	_ = 	snop  }
0x7: {  	_ = 	snop  }
__scs_overlays_trampoline_lowered:
0x8: {  	[smem:$0x3FAC] =	sst s0  }
0x9: {  	[smem:$0x3FAD] =	sst s1  }
0xa: {  	[smem:$0x3FAE] =	sst s2  }
0xb: {  	[smem:$0x3FAF] =	sst s3  }
0xc: {  	[smem:$0x3FB0] =	sst s4  }
0xd: {  	[smem:$0x3FB1] =	sst s5  }
0xe: {  	[smem:$0x3FB2] =	sst s6  }
0xf: {  	[smem:$0x3FB3] =	sst s7  }
0x10: {  	[smem:$0x3FB4] =	sst s8  }
0x11: {  	[smem:$0x3FB5] =	sst s9;
	s0 =	simm.s32 @!p0 $0x0  }
0x12: {  	s1 =	sld [smem:$0x3F9B];
	s0 =	simm.s32 @p0 $0x1  }
0x13: {  	[smem:$0x3FB6] =	sst s0;
	s0 =	simm.s32 @!p1 $0x0  }
0x14: {  	s2 =	sld [smem:$0x3F9A];
	s0 =	simm.s32 @p1 $0x1  }
0x15: {  	[smem:$0x3FB7] =	sst s0;
	s0 =	simm.s32 @!p2 $0x0  }
0x16: {  	s3 =	sld [smem:$0x3FDB];
	s0 =	simm.s32 @p2 $0x1  }
0x17: {  	s4 =	simm.s32 $0x1BF5;
	[smem:$0x3FB9] =	sst s0  }
0x18: {  	s0 =	sld [smem:$0x3F9C];
	_ =	swait.ge [sflag:s4], $0x0  }
0x19: {  	s7 =	sld [smem:$0x3F9D]  }
0x1a: {  	s8 =	sadd.s32 $0xFFFFE003, lr  }
0x1b: {  	s9 =	sadd.s32 $0xFFFFFEF7, lr;
	s5 =	simm.s32 $0xFFFFFFFF;
	p2 =	slt.u32 s8, $0xFFFFF086  }
0x1c: {  	p1 =	slt.u32 s9, $0xF7A;
	s5 =	simm.s32 @!p2 $0x0  }
0x1d: {  	s5 =	simm.s32 @p1 $0x1;
	p0 =	seq.s32 s7, s2  }
0x1e: {  	s7 =	smul.u32 @!p0 $0xF7A, s2;
	p2 =	seq.s32 @!p0 s5, $0x0  }
0x1f: {  	s9 =	smul.u32 $0xF7A, s1;
	s8 =	simm.s32 @!p0 $0x1BF5;
	p2 =	por !p2, p0  }
0x20: {  	[sflag:s8] =	ssyncset.s32 @!p0 $0xFFFFF086;
	s6 =	sadd.s32 @!p0 s3, s7;
	s7 =	simm.s32 @!p0 $0x108  }
0x21: {  	s3 =	sadd.s32 s3, s9;
	s6 =	sadd.s32 @!p0 $0x88, s6;
	s7 =	simm.s32 @p2 $0x1082  }
0x22: {  	[simem:s7], [sflag:s8] =	dma.local @!p0 [hbm:s6], $0xF7A  }
0x23: {  	s9 =	sor.u32 $0xD0000000, s2;
	s6 =	simm.s32 $0x108;
	_ =	swait.ge @!p0 [sflag:s8], $0x0  }
0x24: {  	s3 =	sadd.s32 $0x88, s3;
	s6 =	simm.s32 @!p1 $0x1082;
	[sflag:s4] =	ssyncset.s32 $0xFFFFF086  }
0x25: {  	[simem:s6], [sflag:s4] =	dma.local [hbm:s3], $0xF7A  }
0x26: {  	[smem:$0x3F9D] =	sst s1;
	(tag) =	ssettag s2;
	_ =	strace s9  }
0x27: {  	s1 =	sld [smem:$0x3FAD]  }
0x28: {  	s2 =	sld [smem:$0x3FAE]  }
0x29: {  	s4 =	sld [smem:$0x3FB0]  }
0x2a: {  	p0 =	seq.s32 s5, $0x0;
	s5 =	sld [smem:$0x3FB1]  }
0x2b: {  	s6 =	sld [smem:$0x3FB2]  }
0x2c: {  	s7 =	sld [smem:$0x3FB3]  }
0x2d: {  	s3 =	simm.s32 $0x108;
	s8 =	sld [smem:$0x3FB4]  }
0x2e: {  	s3 =	simm.s32 @!p0 $0x1082;
	s9 =	sld [smem:$0x3FB5]  }
0x2f: {  	lr =	sadd.s32 s0, s3;
	s0 =	sld [smem:$0x3FAC]  }
0x30: {  	s3 =	sld [smem:$0x3FAF]  }
0x31: {  	[smem:$0x3FB8] =	sst s10  }
0x32: {  	s10 =	sld [smem:$0x3FB6];
	_ =	sdelay $0x3  }
0x33: {  	p0 =	seq.s32 s10, $0x1;
	s10 =	sld [smem:$0x3FB8];
	_ =	sdelay $0x3  }
0x34: {  	[smem:$0x3FB8] =	sst s10  }
0x35: {  	s10 =	sld [smem:$0x3FB7];
	_ =	sdelay $0x3  }
0x36: {  	p1 =	seq.s32 s10, $0x1;
	s10 =	sld [smem:$0x3FB8];
	_ =	sdelay $0x3  }
0x37: {  	[smem:$0x3FB8] =	sst s10  }
0x38: {  	s10 =	sld [smem:$0x3FB9]  }
0x39: {  	_ = 	snop;
	(pc) =	sbr.ind lr, $3  }
0x3a: {  	_ = 	snop  }
0x3b: {  	_ = 	snop  }
0x3c: {  	p2 =	seq.s32 s10, $0x1;
	s10 =	sld [smem:$0x3FB8]  }
0x3d: {  	_ =	shalt  }
0x3e: {  	_ =	shalt  }
0x3f: {  	_ =	shalt  }
0x40: {  	_ =	shalt  }
0x41: {  	_ =	shalt  }
0x42: {  	_ =	shalt  }
0x43: {  	_ =	shalt  }
0x44: {  	_ =	shalt  }
0x45: {  	_ =	shalt  }
0x46: {  	_ =	shalt  }
0x47: {  	_ =	shalt  }
0x48: {  	_ =	shalt  }
0x49: {  	_ =	shalt  }
0x4a: {  	_ =	shalt  }
0x4b: {  	_ =	shalt  }
0x4c: {  	_ =	shalt  }
0x4d: {  	_ =	shalt  }
0x4e: {  	_ =	shalt  }
0x4f: {  	_ =	shalt  }
0x50: {  	_ =	shalt  }
0x51: {  	_ =	shalt  }
0x52: {  	_ =	shalt  }
0x53: {  	_ =	shalt  }
0x54: {  	_ =	shalt  }
0x55: {  	_ =	shalt  }
0x56: {  	_ =	shalt  }
0x57: {  	_ =	shalt  }
0x58: {  	_ =	shalt  }
0x59: {  	_ =	shalt  }
0x5a: {  	_ =	shalt  }
0x5b: {  	_ =	shalt  }
0x5c: {  	_ =	shalt  }
0x5d: {  	_ =	shalt  }
0x5e: {  	_ =	shalt  }
0x5f: {  	_ =	shalt  }
0x60: {  	_ =	shalt  }
0x61: {  	_ =	shalt  }
0x62: {  	_ =	shalt  }
0x63: {  	_ =	shalt  }
0x64: {  	_ =	shalt  }
0x65: {  	_ =	shalt  }
0x66: {  	_ =	shalt  }
0x67: {  	_ =	shalt  }
0x68: {  	_ =	shalt  }
0x69: {  	_ =	shalt  }
0x6a: {  	_ =	shalt  }
0x6b: {  	_ =	shalt  }
0x6c: {  	_ =	shalt  }
0x6d: {  	_ =	shalt  }
0x6e: {  	_ =	shalt  }
0x6f: {  	_ =	shalt  }
0x70: {  	_ =	shalt  }
0x71: {  	_ =	shalt  }
0x72: {  	_ =	shalt  }
0x73: {  	_ =	shalt  }
0x74: {  	_ =	shalt  }
0x75: {  	_ =	shalt  }
0x76: {  	_ =	shalt  }
0x77: {  	_ =	shalt  }
0x78: {  	_ =	shalt  }
0x79: {  	_ =	shalt  }
0x7a: {  	_ =	shalt  }
0x7b: {  	_ =	shalt  }
0x7c: {  	_ =	shalt  }
0x7d: {  	_ =	shalt  }
0x7e: {  	_ =	shalt  }
0x7f: {  	_ =	shalt  }
0x80: {  	_ =	shalt  }
0x81: {  	_ =	shalt  }
0x82: {  	_ =	shalt  }
0x83: {  	_ =	shalt  }
0x84: {  	_ =	shalt  }
0x85: {  	_ =	shalt  }
0x86: {  	_ =	shalt  }
0x87: {  	_ =	shalt  }
.Lfunc_end0:
.L_simem_size_0:
called_computation_lowered:
.L_overlay_start_0:
0x88: {  	s2 =	sld [smem:$0x3FD9]  }
0x89: {  	s3 =	sld [smem:$0x3FFE];
	_ =	sdelay $0x1  }
0x8a: {  	s1 =	srdreg.scid  }
0x8b: {  	s0 =	sand.u32 $0x1, s1  }
0x8c: {  	s16 =	sshll.u32 s0, $0xA;
	s2 =	sadd.s32 s3, s2  }
0x8d: {  	s2 =	sadd.s32 s2, s16  }
0x8e: {  	[smem:$0x3FC4] =	sst s2  }
0x8f: {  	_ = 	snop  }
0x90: {  	(tm) =	ssettm $0x1  }
0x91: {  	s17 =	sld [smem:$0x3FFB];
	_ =	sdelay $0x3  }
0x92: {  	_ =	strace s17  }
0x93: {  	s2 =	sld [smem:$0x3FFC];
	_ =	sdelay $0x3  }
0x94: {  	_ =	strace s2  }
0x95: {  	s2 =	sld [smem:$0x3FFD];
	_ =	sdelay $0x3  }
0x96: {  	_ =	strace s2  }
0x97: {  	_ =	strace $0x8FFFFFFF  }
0x98: {  	s18 =	sld [smem:$0x3FDB];
	_ =	sdelay $0x1  }
0x99: {  	s19 =	simm.s32 $_scs_section_size  }
0x9a: {  	s4 =	simm.s32 $_size__tile_overlayer_lowered;
	s5 =	simm.s32 $_tile_overlayer_lowered  }
0x9b: {  	s22 =	simm.s32 $0x1BFF;
	s21 =	sshll.u32 s5, $0x1;
	s2 =	sadd.s32 s19, s18  }
0x9c: {  	s6 =	simm.s32 $0x0;
	s20 =	sshll.u32 s4, $0x1;
	s4 =	sadd.s32 s21, s2  }
0x9d: {  	[timem:s6], [sflag:s22] =	dma.local [hbm:s4], s20  }
0x9e: {  	_ =	swait.ge [sflag:s22], s20  }
0x9f: {  	s3 =	ssub.s32 $0x0, s20;
	[sflag:s22] =	ssyncset.done $0x0  }
0xa0: {  	[sflag:s22] =	ssyncadd.s32 s3;
	_ =	sdelay $0x1  }
0xa1: {  	s23 =	simm.s32 $0x1B8B  }
0xa2: {  	_ =	swait.ge [sflag:s23], $0x1  }
0xa3: {  	[sflag:s23] =	ssyncset.done $0x0  }
0xa4: {  	s25 =	simm.s32 $0x1B8E;
	s24 =	sld [smem:$0x3FFE];
	[sflag:s23] =	ssyncadd.s32 $0xFFFFFFFF  }
0xa5: {  	s26 =	simm.s32 $execute0_lowered;
	[smem:$0x3FD2] =	sst s25  }
0xa6: {  	s4 =	sshll.u32 s26, $0x1;
	_ =	strace $0x80000046;
	[dreg:$0x1] =	wrdreg $0xFFFFFFFF  }
0xa7: {  	s28 =	simm.s32 $_size_execute0_lowered;
	s2 =	sadd.s32 s2, s4;
	[dreg:$0x0] =	wrdreg $0x0  }
0xa8: {  	s4 =	sshll.u32 s28, $0x1;
	[dreg:$0x2] =	wrdreg s2  }
0xa9: {  	[dreg:$0x3] =	wrdreg s4  }
0xaa: {  	[dreg:$0x4] =	wrdreg $0xC0  }
0xab: {  	_ =	task [dreg:s6], $0x5FFFF  }
0xac: {  	[dreg:$0x1] =	wrdreg $0xFFFFFFFF  }
0xad: {  	[dreg:$0x0] =	wrdreg $0x60  }
0xae: {  	[dreg:$0x2] =	wrdreg s24  }
0xaf: {  	[dreg:$0x3] =	wrdreg $0x9  }
0xb0: {  	_ =	task.clear_ibuf [dreg:s6], $0x4FFFF;
	_ =	strace $0x90000046  }
0xb1: {  	s29 =	simm.s32 $0x9;
	_ =	strace $0x80000048  }
0xb2: {  	_ =	swait.ge [sflag:s29], $0x1  }
0xb3: {  	[sflag:s29] =	ssyncadd.s32 $0xFFFFFFFF  }
0xb4: {  	_ =	strace $0x90000048  }
0xb5: {  	_ =	sfence  }
0xb6: {  	s30 =	sld [smem:$0x0];
	_ =	sdelay $0x2  }
0xb7: {  	s31 =	sshll.u32 s1, $0xD;
	s1 =	sshrl.u32 s1, $0x2  }
0xb8: {  	s3 =	sand.u32 $0x4000, s31;
	s1 =	sadd.s32 s1, s30  }
0xb9: {  	s0 =	sor.u32 s3, s0;
	s1 =	sshll.u32 s1, $0x11  }
0xba: {  	s0 =	sor.u32 s1, s0  }
0xbb: {  	s0 =	sadd.s32 $0x8F2B, s0  }
0xbc: {  	[sflag:s0] =	ssyncadd.remote.s32 $0x1  }
0xbd: {  	_ =	sfence.sel $0xFFFF  }
0xbe: {  	[dreg:$0x0] =	wrdreg $0xFFFFFFFF;
	(pc) =	sbr.abs _section_cstart, $3  }
0xbf: {  	[dreg:$0x1] =	wrdreg $0xFFFFFFFF  }
0xc0: {  	_ =	task.clear_ibuf [dreg:s6], $0x2FFFF;
	_ =	strace $0x9FFFFFFF  }
0xc1: {  	(tm) =	ssettm $0x7FFFFFFF  }
tec
execute0_lowered:
.L_overlay_start_1:
0x0: {  	(tag) =	ssettag $0x1  }
0x1: {  	s6 =	rddreg [dreg:$0x0]  }
0x2: {  	s0 =	rddreg [dreg:$0x1]  }
0x3: {  	s1 =	simm.s32 $0x0;
	s7 =	srdreg.scid;
	s2 =	stileid.u32  }
0x4: {  	s11 =	simm.s32 $0x8900;
	s12 =	simm.s32 $0x9100;
	s13 =	simm.s32 $0x9900  }
0x5: {  	s15 =	simm.s32 $0xA900;
	s16 =	simm.s32 $0x0;
	[smem:$0x7FF] =	sst s1  }
0x6: {  	s3 =	sadd.s32 $0x24A00, s6;
	s4 =	sadd.s32 $0xA00, s6;
	s5 =	sadd.s32 $0x12A00, s6  }
0x7: {  	s7 =	sand.u32 $0x1, s7;
	s6 =	sadd.s32 $0x25C00, s6;
	s9 =	sshll.u32 s2, $0x1  }
0x8: {  	s31 =	sshll.u32 s2, $0x9;
	_ =	strace $0x80000047;
	s8 =	ssub.s32 $0x2, s7  }
0x9: {  	s7 =	sor.u32 s7, s9;
	s14 =	sand.u32 $0x1800, s31;
	s10 =	sshrl.u32 s8, $0x1  }
0xa: {  	s9 =	simm.s32 $0x1;
	s7 =	smul.u32 $0x4800, s7;
	s8 =	ssub.s32 s8, s10  }
0xb: {  	v0 =	vmov s14;
	s14 =	simm.s32 $0xA100;
	s10 =	simm.s32 $0x8100;
	s8 =	smax.u32 s8, $0x1  }
.LBB2_1:
0xc: {  	[tilespmem:s1], [sflag:$0x1] =	stream.linear.gather [hbm4b:s3+s1], $0x8100, $0x38;
	[tilespmem:$0xB100] =	vst v63  }
0xd: {  	_ =	swait.ge [sflag:s9], $0x8100  }
0xe: {  	[sflag:s9] =	ssyncset.done $0x0  }
0xf: {  	s17 =	simm.s32 $0x0;
	[sflag:s9] =	ssyncadd.s32 $0xFFFF7F00  }
.LBB2_2:
0x10: {  	s18 =	sshll.u32 s17, $0xB  }
0x11: {  	s18 =	sadd.s32 s7, s18  }
0x12: {  	s18 =	sshrl.u32 s18, $0x3  }
0x13: {  	s20 =	simm.s32 $0x0;
	s19 =	sadd.s32 s4, s18  }
0x14: {  	[tilespmem:s10], [sflag:$0x1] =	stream.linear.gather [hbm4b:s19+s20], $0x800, $0x38;
	[tilespmem:$0xB100] =	vst v63  }
0x15: {  	_ =	swait.ge [sflag:s9], $0x800  }
0x16: {  	[sflag:s9] =	ssyncset.done $0x0  }
0x17: {  	s31 =	sadd.s32 s5, s18;
	[sflag:s9] =	ssyncadd.s32 $0xFFFFF800  }
0x18: {  	[tilespmem:s11], [sflag:$0x1] =	stream.linear.gather [hbm4b:s31+s20], $0x800, $0x38;
	[tilespmem:$0xB100] =	vst v63  }
0x19: {  	_ =	swait.ge [sflag:s9], $0x800  }
0x1a: {  	[sflag:s9] =	ssyncset.done $0x0  }
0x1b: {  	s19 =	simm.s32 $0x0;
	[sflag:s9] =	ssyncadd.s32 $0xFFFFF800  }
0x1c: {  	v1 =	vld [tilespmem:s19+$0x8100]  }
0x1d: {  	v2 =	vld [tilespmem:s19+$0x8900];
	_ =	sdelay $0x3  }
0x1e: {  	v1 =	vadd.s32 v0, v1  }
0x1f: {  	vm0 =	veq.s32 v2, $0x0;
	v1 =	vshll.u32 v1, $0x2  }
0x20: {  	v1 =	vsel vm0, $0x8000, v1;
	_ =	sdelay $0x4  }
0x21: {  	v2 =	vld.idx.msk [tilespmem:v1+s1+$0x0], $0xffff  }
0x22: {  	v3 =	vor.u32 $0x1, v1;
	_ =	sdelay $0x3  }
0x23: {  	[tilespmem:s19+$0x9100] =	vst v2  }
0x24: {  	v2 =	vld.idx.msk [tilespmem:v3+s1+$0x0], $0xffff  }
0x25: {  	v3 =	vor.u32 $0x2, v1;
	_ =	sdelay $0x3  }
0x26: {  	[tilespmem:s19+$0x9900] =	vst v2  }
0x27: {  	s21 =	simm.s32 $0x10;
	s20 =	simm.s32 $0x80;
	v2 =	vld.idx.msk [tilespmem:v3+s1+$0x0], $0xffff  }
.LBB2_3:
0x28: {  	p0 =	sne.s32 s20, $0x1FC0;
	v3 =	vld [tilespmem:s21+$0x8100];
	v1 =	vor.u32 $0x3, v1  }
0x29: {  	v4 =	vld [tilespmem:s21+$0x8900];
	_ =	sdelay $0x2  }
0x2a: {  	[tilespmem:s19+$0xA100] =	vst v2  }
0x2b: {  	v2 =	vadd.s32 v0, v3;
	v3 =	vld.idx.msk [tilespmem:v1+s1+$0x0], $0xffff  }
0x2c: {  	vm0 =	veq.s32 v4, $0x0;
	v1 =	vshll.u32 v2, $0x2  }
0x2d: {  	v1 =	vsel vm0, $0x8000, v1;
	_ =	sdelay $0x3  }
0x2e: {  	[tilespmem:s19+$0xA900] =	vst v3;
	s19 =	smov.u32 s21  }
0x2f: {  	v2 =	vld.idx.msk [tilespmem:v1+s1+$0x0], $0xffff;
	_ =	sdelay $0x1  }
0x30: {  	v3 =	vor.u32 $0x1, v1;
	_ =	sdelay $0x3  }
0x31: {  	[tilespmem:s19+$0x9100] =	vst v2  }
0x32: {  	v2 =	vld.idx.msk [tilespmem:v3+s1+$0x0], $0xffff;
	_ =	sdelay $0x1  }
0x33: {  	v3 =	vor.u32 $0x2, v1;
	_ =	sdelay $0x1  }
.Ltmp0:
0x34: {  	(pc) =	sbr.rel @p0 .LBB2_3-.Ltmp0, $4  }
0x35: {  	_ = 	snop  }
0x36: {  	[tilespmem:s19+$0x9900] =	vst v2  }
0x37: {  	v2 =	vld.idx.msk [tilespmem:v3+s1+$0x0], $0xffff  }
0x38: {  	s21 =	sshra.s32 s20, $0x2;
	s20 =	sadd.s32 $0x40, s20  }
0x39: {  	v3 =	vld [tilespmem:s21+$0x8100]  }
0x3a: {  	v1 =	vor.u32 $0x3, v1;
	v4 =	vld [tilespmem:s21+$0x8900];
	_ =	sdelay $0x3  }
0x3b: {  	[tilespmem:s19+$0xA100] =	vst v2;
	v2 =	vadd.s32 v0, v3  }
0x3c: {  	v1 =	vld.idx.msk [tilespmem:v1+s1+$0x0], $0xffff;
	vm0 =	veq.s32 v4, $0x0;
	v2 =	vshll.u32 v2, $0x2  }
0x3d: {  	v2 =	vsel vm0, $0x8000, v2;
	_ =	sdelay $0x3  }
0x3e: {  	[tilespmem:s19+$0xA900] =	vst v1  }
0x3f: {  	v1 =	vld.idx.msk [tilespmem:v2+s1+$0x0], $0xffff  }
0x40: {  	v3 =	vor.u32 $0x1, v2;
	_ =	sdelay $0x3  }
0x41: {  	[tilespmem:s21+$0x9100] =	vst v1  }
0x42: {  	v1 =	vld.idx.msk [tilespmem:v3+s1+$0x0], $0xffff  }
0x43: {  	v3 =	vor.u32 $0x2, v2;
	_ =	sdelay $0x3  }
0x44: {  	[tilespmem:s21+$0x9900] =	vst v1  }
0x45: {  	v1 =	vld.idx.msk [tilespmem:v3+s1+$0x0], $0xffff  }
0x46: {  	v2 =	vor.u32 $0x3, v2;
	_ =	sdelay $0x3  }
0x47: {  	[tilespmem:s21+$0xA100] =	vst v1  }
0x48: {  	v1 =	vld.idx.msk [tilespmem:v2+s1+$0x0], $0xffff;
	_ =	sdelay $0x4  }
0x49: {  	s18 =	sadd.s32 s6, s18;
	[tilespmem:s21+$0xA900] =	vst v1  }
0x4a: {  	[hbm4b:s18+s1] =	stream.linear.scatter [tilespmem:s12], [sflag:$0x1], $0x800, $0x38;
	[tilespmem:$0xB100] =	vst v63  }
0x4b: {  	_ =	swait.ge [sflag:s9], $0x800  }
0x4c: {  	[sflag:s9] =	ssyncset.done $0x0  }
0x4d: {  	s30 =	sadd.s32 $0x12000, s18;
	[sflag:s9] =	ssyncadd.s32 $0xFFFFF800  }
0x4e: {  	[hbm4b:s30+s1] =	stream.linear.scatter [tilespmem:s13], [sflag:$0x1], $0x800, $0x38;
	[tilespmem:$0xB100] =	vst v63  }
0x4f: {  	_ =	swait.ge [sflag:s9], $0x800  }
0x50: {  	[sflag:s9] =	ssyncset.done $0x0  }
0x51: {  	s31 =	sadd.s32 $0x24000, s18;
	[sflag:s9] =	ssyncadd.s32 $0xFFFFF800  }
0x52: {  	[hbm4b:s31+s1] =	stream.linear.scatter [tilespmem:s14], [sflag:$0x1], $0x800, $0x38;
	[tilespmem:$0xB100] =	vst v63  }
0x53: {  	s17 =	sadd.s32 $0x1, s17;
	_ =	swait.ge [sflag:s9], $0x800  }
0x54: {  	p0 =	sne.s32 s17, $0x9;
	[sflag:s9] =	ssyncset.done $0x0  }
.Ltmp1:
0x55: {  	s18 =	sadd.s32 $0x36000, s18;
	[sflag:s9] =	ssyncadd.s32 $0xFFFFF800;
	(pc) =	sbr.rel @p0 .LBB2_2-.Ltmp1, $4  }
0x56: {  	[hbm4b:s18+s1] =	stream.linear.scatter [tilespmem:s15], [sflag:$0x1], $0x800, $0x38;
	[tilespmem:$0xB100] =	vst v63  }
0x57: {  	_ =	swait.ge [sflag:s9], $0x800  }
0x58: {  	[sflag:s9] =	ssyncset.done $0x0  }
0x59: {  	[sflag:s9] =	ssyncadd.s32 $0xFFFFF800  }
0x5a: {  	s16 =	sadd.s32 $0x1, s16  }
0x5b: {  	p0 =	sne.s32 s16, s8  }
.Ltmp2:
0x5c: {  	_ = 	snop;
	(pc) =	sbr.rel @p0 .LBB2_1-.Ltmp2, $1  }
0x5d: {  	_ =	sdelay $0x3  }
0x5e: {  	_ =	sfence.sel $0x180000  }
0x5f: {  	[bflag:$0x0] =	sbarrier.arrive $0xFFFF  }
0x60: {  	p0 =	sne.s32 s2, $0x0;
	_ =	strace $0x90000047  }
0x61: {  	s0 =	sadd.s32 @!p0 $0x100000, s0;
	[bflag:$0x2] =	sbarrier.arrive $0xFFFF  }
0x62: {  	[sflag:s0] =	ssyncadd.tile.s32 @!p0 $0x1;
	_ =	shalt  }
.Lfunc_end2:
_tile_overlayer_lowered:
.L_overlay_start_2:
0x63: {  	(tag) =	ssettag $0x2  }
0x64: {  	s0 =	rddreg [dreg:$0x0];
	s2 =	stileid.u32  }
0x65: {  	s1 =	rddreg [dreg:$0x1];
	p0 =	sne.s32 s2, $0x0  }
0x66: {  	s3 =	rddreg [dreg:$0x2];
	[bflag:$0x3] =	sbarrier.arrive $0xFFFF;
	s2 =	simm.s32 @!p0 $0x1C01  }
0x67: {  	[timem:s3], [sflag:s2] =	dma.local @!p0 [hbm:s0], s1  }
0x68: {  	s0 =	simm.s32 @!p0 $0x1  }
0x69: {  	_ =	swait.ge @!p0 [sflag:s0], s1  }
0x6a: {  	s1 =	ssub.s32 @!p0 $0x0, s1;
	[sflag:s0] =	ssyncset.done @!p0 $0x0  }
0x6b: {  	[sflag:s0] =	ssyncadd.s32 @!p0 s1  }
0x6c: {  	[bflag:$0x3] =	sbarrier.arrive $0xFFFF  }
0x6d: {  	_ =	shalt  }

</sc_bundles>
